<compile_context>
chip_gen: v7x
topology: tpu7x:2x2x1
jax: 0.10.2.dev20260603
libtpu: 0.0.44.dev20260713+nightly
codegen_flags: <defaults>
</compile_context>

<pallas_src>
import functools

import jax
import jax.numpy as jnp
from jax import lax
from jax.experimental import pallas as pl
from jax.experimental.pallas import tpu as pltpu
from jax.experimental.pallas import tpu_sc as plsc

NC = 2
NS = 16
CH = 128
CPB = 16
NBLK = 37
PT = NBLK * CPB * CH
NVSC = 100096
RPT = NVSC // NS
W = 8


def _sc_accumulate(v4flat, zeros4, dst_i, src_i):
    mesh = plsc.VectorSubcoreMesh(core_axis_name="c", subcore_axis_name="s")

    @functools.partial(
        pl.kernel,
        out_type=jax.ShapeDtypeStruct((NC, NVSC, W), jnp.float32),
        mesh=mesh,
        scratch_types=[
            pltpu.VMEM_SHARED((NVSC, W), jnp.float32),
            pltpu.VMEM((CPB, CH), jnp.int32),
            pltpu.VMEM((CPB, CH), jnp.int32),
            pltpu.VMEM((CH, W), jnp.float32),
            pltpu.VMEM((CH, W), jnp.float32),
            pltpu.SemaphoreType.DMA,
            pltpu.SemaphoreType.DMA,
            pltpu.SemaphoreType.DMA,
            pltpu.SemaphoreType.DMA,
        ],
        compiler_params=pltpu.CompilerParams(use_tc_tiling_on_sc=False),
    )
    def k(v4_hbm, z_hbm, dsti_hbm, srci_hbm, acc_hbm, acc, dsti, srci,
          rows_a, rows_b, gsem_a, gsem_b, ssem_a, ssem_b):
        c = lax.axis_index("c")
        s = lax.axis_index("s")
        base = s * RPT
        pltpu.sync_copy(z_hbm.at[c, pl.ds(base, RPT)], acc.at[pl.ds(base, RPT)])
        plsc.subcore_barrier()

        def blk_body(b, carry):
            pltpu.sync_copy(dsti_hbm.at[c, s, pl.ds(b * CPB, CPB)], dsti)
            pltpu.sync_copy(srci_hbm.at[c, s, pl.ds(b * CPB, CPB)], srci)
            pltpu.async_copy(v4_hbm.at[srci.at[0]], rows_a, gsem_a)
            pltpu.async_copy(v4_hbm.at[srci.at[1]], rows_b, gsem_b)

            def pair_body(p, carry2):
                j = 2 * p
                pltpu.make_async_copy(v4_hbm.at[srci.at[j]], rows_a,
                                      gsem_a).wait()
                pltpu.async_copy(rows_a, acc.at[dsti.at[j]], ssem_a, add=True)

                @pl.when(j + 2 < CPB)
                def _():
                    pltpu.make_async_copy(rows_a, acc.at[dsti.at[j]],
                                          ssem_a).wait()
                    pltpu.async_copy(v4_hbm.at[srci.at[j + 2]], rows_a, gsem_a)

                pltpu.make_async_copy(v4_hbm.at[srci.at[j + 1]], rows_b,
                                      gsem_b).wait()
                pltpu.async_copy(rows_b, acc.at[dsti.at[j + 1]], ssem_b,
                                 add=True)

                @pl.when(j + 3 < CPB)
                def _():
                    pltpu.make_async_copy(rows_b, acc.at[dsti.at[j + 1]],
                                          ssem_b).wait()
                    pltpu.async_copy(v4_hbm.at[srci.at[j + 3]], rows_b, gsem_b)

                return carry2

            lax.fori_loop(0, CPB // 2, pair_body, 0)
            pltpu.make_async_copy(rows_a, acc.at[dsti.at[CPB - 2]],
                                  ssem_a).wait()
            pltpu.make_async_copy(rows_b, acc.at[dsti.at[CPB - 1]],
                                  ssem_b).wait()
            return carry

        lax.fori_loop(0, NBLK, blk_body, 0)
        plsc.subcore_barrier()
        pltpu.sync_copy(acc.at[pl.ds(base, RPT)], acc_hbm.at[c, pl.ds(base, RPT)])

    return k(v4flat, zeros4, dst_i, src_i)


def _tc_normalize(acc2, v4flat):
    rows = acc2.shape[0]
    br = 512
    assert rows % br == 0

    def body(a_ref, v_ref, o_ref):
        a = a_ref[...]
        v = v_ref[...]
        d = a[:, 3:4]
        o_ref[...] = (d * v - a) / (d + 1e-12)

    return pl.pallas_call(
        body,
        grid=(rows // br,),
        in_specs=[
            pl.BlockSpec((br, W), lambda i: (i, 0)),
            pl.BlockSpec((br, W), lambda i: (i, 0)),
        ],
        out_specs=pl.BlockSpec((br, W), lambda i: (i, 0)),
        out_shape=jax.ShapeDtypeStruct((rows, W), jnp.float32),
    )(acc2, v4flat)


def kernel(verts, faces):
    b, nv, _ = verts.shape
    nf = faces.shape[1]
    nvsc_real = (b // NC) * nv

    v = verts.reshape(b * nv, 3)
    v4 = jnp.concatenate(
        [v, jnp.ones((b * nv, 1), v.dtype), jnp.zeros((b * nv, W - 4), v.dtype)],
        axis=1)
    v4 = v4.reshape(NC, nvsc_real, W)
    v4 = jnp.pad(v4, ((0, 0), (0, NVSC - nvsc_real), (0, 0)))
    v4flat = v4.reshape(NC * NVSC, W)

    ft = jnp.transpose(faces, (2, 0, 1))
    loc = ((jnp.arange(b, dtype=faces.dtype) % 2) * nv).reshape(1, b, 1)
    ft = ft + loc
    fa, fb, fc = ft[0], ft[1], ft[2]
    dst = jnp.stack([fa, fb, fc, fb, fc, fa], axis=1).reshape(NC, 12 * nf)
    src = jnp.stack([fb, fc, fa, fa, fb, fc], axis=1).reshape(NC, 12 * nf)
    padn = NS * PT - dst.shape[1]
    fill = jnp.full((NC, padn), nvsc_real, faces.dtype)
    dst = jnp.concatenate([dst, fill], axis=1)
    src = jnp.concatenate([src, fill], axis=1)
    src = src + (jnp.arange(NC, dtype=src.dtype) * NVSC).reshape(NC, 1)
    dst_i = dst.reshape(NC, NS, NBLK * CPB, CH)
    src_i = src.reshape(NC, NS, NBLK * CPB, CH)

    zeros4 = jnp.zeros((NC, NVSC, W), jnp.float32)
    acc = _sc_accumulate(v4flat, zeros4, dst_i, src_i)
    out4 = _tc_normalize(acc.reshape(NC * NVSC, W), v4flat)
    out4 = out4.reshape(NC, NVSC, W)[:, :nvsc_real, :3]
    return out4.reshape(b, nv, 3)

# --- scband reference (transcript-rebuilt; emitter-appended) ---
"""Pipeline reference for scband-uniform-laplacian-8461085573740 (READ-ONLY COPY).

The authoritative reference and input builder live on the scoring server;
editing this copy changes nothing except your own understanding.
"""

import jax, jax.numpy as jnp
import numpy as np

B, NV, NF, D = 4, 50000, 100000, 3


def setup_inputs(seed: int = 0) -> dict:
    key = jax.random.key(seed)
    k1, k2 = jax.random.split(key)
    verts = jax.random.normal(k1, (B, NV, D), dtype=jnp.float32)
    # faces: triangle vertex indices in [0, NV). int32 used (values < B*NV fit easily;
    # jax defaults to 32-bit ints without x64 flag).
    faces = jax.random.randint(k2, (B, NF, 3), 0, NV, dtype=jnp.int32)
    return {"verts": verts, "faces": faces}


def reference(verts, faces):
    b, nv, d = verts.shape
    v = verts.reshape(-1, d)
    # offset face indices per batch into the flattened [b*nv] vertex space
    offset = (jnp.arange(b, dtype=faces.dtype) * nv).reshape(-1, 1, 1)
    f = (faces + offset).reshape(-1, 3)
    # row = faces[:, [0,1,2]].reshape(-1); col = faces[:, [1,2,0]].reshape(-1)
    row = f.reshape(-1)
    col = f[:, jnp.array([1, 2, 0])].reshape(-1)
    n = b * nv
    # L (off-diagonal) has -1 at (row,col) and, after L = L.t() + L, also at (col,row),
    # with duplicate entries summed (COO semantics). Apply L_off @ v via scatter-add:
    Lx = jnp.zeros((n, d), dtype=verts.dtype)
    Lx = Lx.at[row].add(-v[col])
    Lx = Lx.at[col].add(-v[row])
    # Lii = -sparse.sum(L, dim=1): each -1 entry in row r contributes +1 to Lii[r]
    deg = jnp.zeros((n,), dtype=verts.dtype)
    deg = deg.at[row].add(1.0)
    deg = deg.at[col].add(1.0)
    # full L = L_off + diag(Lii); then normalize by Lii
    x = (Lx + deg[:, None] * v) / (deg[:, None] + 1e-12)
    return x.reshape(b, nv, d)

if __name__ == "__main__":
    import jax
    _d = setup_inputs()
    print(jax.jit(kernel)(*tuple(_d.values())))

</pallas_src>

<mosaic_0001>
#map = affine_map<(d0, d1) -> (0, 0)>
#map1 = affine_map<(d0, d1) -> (0, 0, 0)>
#map2 = affine_map<(d0, d1) -> (0, 0, 0, 0)>
module attributes {stable_mosaic.version = 14 : i64} {
  func.func @k(%arg0: i32, %arg1: i32, %arg2: memref<200192x8xf32, #tpu.memory_space<hbm>>, %arg3: memref<2x100096x8xf32, #tpu.memory_space<hbm>>, %arg4: memref<2x16x592x128xi32, #tpu.memory_space<hbm>>, %arg5: memref<2x16x592x128xi32, #tpu.memory_space<hbm>>, %arg6: memref<2x100096x8xf32, #tpu.memory_space<hbm>>, %arg7: memref<100096x8xf32, #tpu.memory_space<vmem_shared>>, %arg8: memref<16x128xi32, #tpu.memory_space<vmem>>, %arg9: memref<16x128xi32, #tpu.memory_space<vmem>>, %arg10: memref<128x8xf32, #tpu.memory_space<vmem>>, %arg11: memref<128x8xf32, #tpu.memory_space<vmem>>, %arg12: memref<!tpu.dma_semaphore, #tpu.memory_space<semaphore_mem>>, %arg13: memref<!tpu.dma_semaphore, #tpu.memory_space<semaphore_mem>>, %arg14: memref<!tpu.dma_semaphore, #tpu.memory_space<semaphore_mem>>, %arg15: memref<!tpu.dma_semaphore, #tpu.memory_space<semaphore_mem>>) attributes {dimension_semantics = [#tpu.dimension_semantics<core_parallel>, #tpu.dimension_semantics<subcore_parallel>], iteration_bounds = array<i64: 2, 16>, scalar_prefetch = 0 : i64, scratch_operands = 9 : i64, tpu.core_type = #tpu.core_type<sc_vector_subcore>, window_params = [{transform_indices = #map}, {transform_indices = #map1}, {transform_indices = #map2}, {transform_indices = #map2}, {transform_indices = #map1}]} {
    %mul3A = arith.constant 6256 : i32
    %mul3A_0 = arith.muli %arg1, %mul3A : i32
    "tpu.region"() ({
      %run_scoped3A = tpu.sem_alloc : memref<!tpu.dma_semaphore, #tpu.memory_space<semaphore_mem>>
      %dma_start3A = arith.constant 0 : i32
      %dma_start3A_7 = tpu.memref_slice %arg7[%mul3A_0, %dma_start3A] : memref<100096x8xf32, #tpu.memory_space<vmem_shared>> -> memref<6256x8xf32, #tpu.memory_space<vmem_shared>>
      %dma_start3A_8 = arith.constant 0 : i32
      %dma_start3A_9 = tpu.memref_slice %arg3[%arg0, %mul3A_0, %dma_start3A_8] : memref<2x100096x8xf32, #tpu.memory_space<hbm>> -> memref<1x6256x8xf32, #tpu.memory_space<hbm>>
      %dma_start3A_10 = tpu.memref_squeeze %dma_start3A_9 : memref<1x6256x8xf32, #tpu.memory_space<hbm>> -> memref<6256x8xf32, #tpu.memory_space<hbm>>
      tpu.enqueue_dma source(%dma_start3A_10 : memref<6256x8xf32, #tpu.memory_space<hbm>>) target(%dma_start3A_7 : memref<6256x8xf32, #tpu.memory_space<vmem_shared>>) target_semaphore(%run_scoped3A : memref<!tpu.dma_semaphore, #tpu.memory_space<semaphore_mem>>)
      %dma_wait3A = arith.constant 0 : i32
      %dma_wait3A_11 = tpu.memref_slice %arg7[%mul3A_0, %dma_wait3A] : memref<100096x8xf32, #tpu.memory_space<vmem_shared>> -> memref<6256x8xf32, #tpu.memory_space<vmem_shared>>
      %dma_wait3A_12 = arith.constant 0 : i32
      %dma_wait3A_13 = tpu.memref_slice %arg3[%arg0, %mul3A_0, %dma_wait3A_12] : memref<2x100096x8xf32, #tpu.memory_space<hbm>> -> memref<1x6256x8xf32, #tpu.memory_space<hbm>>
      %dma_wait3A_14 = tpu.memref_squeeze %dma_wait3A_13 : memref<1x6256x8xf32, #tpu.memory_space<hbm>> -> memref<6256x8xf32, #tpu.memory_space<hbm>>
      tpu.wait_dma2 semaphore(%run_scoped3A : memref<!tpu.dma_semaphore, #tpu.memory_space<semaphore_mem>>) src(%dma_wait3A_14 : memref<6256x8xf32, #tpu.memory_space<hbm>>) dst(%dma_wait3A_11 : memref<6256x8xf32, #tpu.memory_space<vmem_shared>>)
      tpu.yield
    }) : () -> ()
    %barrier3A = arith.constant 0 : index
    tpu.barrier barrier_id(%barrier3A)
    %scan3A = arith.constant 0 : i32
    %scan3A_1 = arith.constant 0 : i32
    %scan3A_2 = arith.constant 37 : i32
    %scan3A_3 = arith.addi %scan3A_1, %scan3A_2 : i32
    %scan3A_4 = arith.constant 1 : i32
    scf.for %scan3A_7 = %scan3A_1 to %scan3A_3 step %scan3A_4  : i32 {
      %mul3A_8 = arith.constant 16 : i32
      %mul3A_9 = arith.muli %scan3A_7, %mul3A_8 : i32
      "tpu.region"() ({
        %run_scoped3A = tpu.sem_alloc : memref<!tpu.dma_semaphore, #tpu.memory_space<semaphore_mem>>
        %dma_start3A_44 = arith.constant 0 : i32
        %dma_start3A_45 = tpu.memref_slice %arg4[%arg0, %arg1, %mul3A_9, %dma_start3A_44] : memref<2x16x592x128xi32, #tpu.memory_space<hbm>> -> memref<1x1x16x128xi32, #tpu.memory_space<hbm>>
        %dma_start3A_46 = tpu.memref_squeeze %dma_start3A_45 : memref<1x1x16x128xi32, #tpu.memory_space<hbm>> -> memref<16x128xi32, #tpu.memory_space<hbm>>
        %dma_start3A_47 = arith.constant 0 : i32
        %dma_start3A_48 = tpu.memref_slice %arg4[%arg0, %arg1, %mul3A_9, %dma_start3A_47] : memref<2x16x592x128xi32, #tpu.memory_space<hbm>> -> memref<1x1x16x128xi32, #tpu.memory_space<hbm>>
        %dma_start3A_49 = tpu.memref_squeeze %dma_start3A_48 : memref<1x1x16x128xi32, #tpu.memory_space<hbm>> -> memref<16x128xi32, #tpu.memory_space<hbm>>
        tpu.enqueue_dma source(%dma_start3A_49 : memref<16x128xi32, #tpu.memory_space<hbm>>) target(%arg8 : memref<16x128xi32, #tpu.memory_space<vmem>>) target_semaphore(%run_scoped3A : memref<!tpu.dma_semaphore, #tpu.memory_space<semaphore_mem>>)
        %dma_wait3A_50 = arith.constant 0 : i32
        %dma_wait3A_51 = tpu.memref_slice %arg4[%arg0, %arg1, %mul3A_9, %dma_wait3A_50] : memref<2x16x592x128xi32, #tpu.memory_space<hbm>> -> memref<1x1x16x128xi32, #tpu.memory_space<hbm>>
        %dma_wait3A_52 = tpu.memref_squeeze %dma_wait3A_51 : memref<1x1x16x128xi32, #tpu.memory_space<hbm>> -> memref<16x128xi32, #tpu.memory_space<hbm>>
        %dma_wait3A_53 = arith.constant 0 : i32
        %dma_wait3A_54 = tpu.memref_slice %arg4[%arg0, %arg1, %mul3A_9, %dma_wait3A_53] : memref<2x16x592x128xi32, #tpu.memory_space<hbm>> -> memref<1x1x16x128xi32, #tpu.memory_space<hbm>>
        %dma_wait3A_55 = tpu.memref_squeeze %dma_wait3A_54 : memref<1x1x16x128xi32, #tpu.memory_space<hbm>> -> memref<16x128xi32, #tpu.memory_space<hbm>>
        tpu.wait_dma2 semaphore(%run_scoped3A : memref<!tpu.dma_semaphore, #tpu.memory_space<semaphore_mem>>) src(%dma_wait3A_55 : memref<16x128xi32, #tpu.memory_space<hbm>>) dst(%arg8 : memref<16x128xi32, #tpu.memory_space<vmem>>)
        tpu.yield
      }) : () -> ()
      %mul3A_10 = arith.constant 16 : i32
      %mul3A_11 = arith.muli %scan3A_7, %mul3A_10 : i32
      "tpu.region"() ({
        %run_scoped3A = tpu.sem_alloc : memref<!tpu.dma_semaphore, #tpu.memory_space<semaphore_mem>>
        %dma_start3A_44 = arith.constant 0 : i32
        %dma_start3A_45 = tpu.memref_slice %arg5[%arg0, %arg1, %mul3A_11, %dma_start3A_44] : memref<2x16x592x128xi32, #tpu.memory_space<hbm>> -> memref<1x1x16x128xi32, #tpu.memory_space<hbm>>
        %dma_start3A_46 = tpu.memref_squeeze %dma_start3A_45 : memref<1x1x16x128xi32, #tpu.memory_space<hbm>> -> memref<16x128xi32, #tpu.memory_space<hbm>>
        %dma_start3A_47 = arith.constant 0 : i32
        %dma_start3A_48 = tpu.memref_slice %arg5[%arg0, %arg1, %mul3A_11, %dma_start3A_47] : memref<2x16x592x128xi32, #tpu.memory_space<hbm>> -> memref<1x1x16x128xi32, #tpu.memory_space<hbm>>
        %dma_start3A_49 = tpu.memref_squeeze %dma_start3A_48 : memref<1x1x16x128xi32, #tpu.memory_space<hbm>> -> memref<16x128xi32, #tpu.memory_space<hbm>>
        tpu.enqueue_dma source(%dma_start3A_49 : memref<16x128xi32, #tpu.memory_space<hbm>>) target(%arg9 : memref<16x128xi32, #tpu.memory_space<vmem>>) target_semaphore(%run_scoped3A : memref<!tpu.dma_semaphore, #tpu.memory_space<semaphore_mem>>)
        %dma_wait3A_50 = arith.constant 0 : i32
        %dma_wait3A_51 = tpu.memref_slice %arg5[%arg0, %arg1, %mul3A_11, %dma_wait3A_50] : memref<2x16x592x128xi32, #tpu.memory_space<hbm>> -> memref<1x1x16x128xi32, #tpu.memory_space<hbm>>
        %dma_wait3A_52 = tpu.memref_squeeze %dma_wait3A_51 : memref<1x1x16x128xi32, #tpu.memory_space<hbm>> -> memref<16x128xi32, #tpu.memory_space<hbm>>
        %dma_wait3A_53 = arith.constant 0 : i32
        %dma_wait3A_54 = tpu.memref_slice %arg5[%arg0, %arg1, %mul3A_11, %dma_wait3A_53] : memref<2x16x592x128xi32, #tpu.memory_space<hbm>> -> memref<1x1x16x128xi32, #tpu.memory_space<hbm>>
        %dma_wait3A_55 = tpu.memref_squeeze %dma_wait3A_54 : memref<1x1x16x128xi32, #tpu.memory_space<hbm>> -> memref<16x128xi32, #tpu.memory_space<hbm>>
        tpu.wait_dma2 semaphore(%run_scoped3A : memref<!tpu.dma_semaphore, #tpu.memory_space<semaphore_mem>>) src(%dma_wait3A_55 : memref<16x128xi32, #tpu.memory_space<hbm>>) dst(%arg9 : memref<16x128xi32, #tpu.memory_space<vmem>>)
        tpu.yield
      }) : () -> ()
      %dma_start3A = arith.constant 0 : i32
      %dma_start3A_12 = arith.constant 0 : i32
      %dma_start3A_13 = tpu.memref_slice %arg9[%dma_start3A, %dma_start3A_12] : memref<16x128xi32, #tpu.memory_space<vmem>> -> memref<1x128xi32, #tpu.memory_space<vmem>>
      %dma_start3A_14 = tpu.memref_squeeze %dma_start3A_13 : memref<1x128xi32, #tpu.memory_space<vmem>> -> memref<128xi32, #tpu.memory_space<vmem>>
      %dma_start3A_15 = arith.constant 0 : i32
      %dma_start3A_16 = arith.constant 0 : i32
      %dma_start3A_17 = tpu.memref_slice %arg2[%dma_start3A_15, %dma_start3A_16] : memref<200192x8xf32, #tpu.memory_space<hbm>> -> memref<200192x8xf32, #tpu.memory_space<hbm>>
      tpu.enqueue_indirect_dma source(%dma_start3A_17 : memref<200192x8xf32, #tpu.memory_space<hbm>>) target(%arg10 : memref<128x8xf32, #tpu.memory_space<vmem>>) offsets(%dma_start3A_14 : memref<128xi32, #tpu.memory_space<vmem>>) semaphore(%arg12 : memref<!tpu.dma_semaphore, #tpu.memory_space<semaphore_mem>>)
      %dma_start3A_18 = arith.constant 1 : i32
      %dma_start3A_19 = arith.constant 0 : i32
      %dma_start3A_20 = tpu.memref_slice %arg9[%dma_start3A_18, %dma_start3A_19] : memref<16x128xi32, #tpu.memory_space<vmem>> -> memref<1x128xi32, #tpu.memory_space<vmem>>
      %dma_start3A_21 = tpu.memref_squeeze %dma_start3A_20 : memref<1x128xi32, #tpu.memory_space<vmem>> -> memref<128xi32, #tpu.memory_space<vmem>>
      %dma_start3A_22 = arith.constant 0 : i32
      %dma_start3A_23 = arith.constant 0 : i32
      %dma_start3A_24 = tpu.memref_slice %arg2[%dma_start3A_22, %dma_start3A_23] : memref<200192x8xf32, #tpu.memory_space<hbm>> -> memref<200192x8xf32, #tpu.memory_space<hbm>>
      tpu.enqueue_indirect_dma source(%dma_start3A_24 : memref<200192x8xf32, #tpu.memory_space<hbm>>) target(%arg11 : memref<128x8xf32, #tpu.memory_space<vmem>>) offsets(%dma_start3A_21 : memref<128xi32, #tpu.memory_space<vmem>>) semaphore(%arg13 : memref<!tpu.dma_semaphore, #tpu.memory_space<semaphore_mem>>)
      %scan3A_25 = arith.constant 0 : i32
      %scan3A_26 = arith.constant 0 : i32
      %scan3A_27 = arith.constant 8 : i32
      %scan3A_28 = arith.addi %scan3A_26, %scan3A_27 : i32
      %scan3A_29 = arith.constant 1 : i32
      scf.for %scan3A_44 = %scan3A_26 to %scan3A_28 step %scan3A_29  : i32 {
        %mul3A_45 = arith.constant 2 : i32
        %mul3A_46 = arith.muli %mul3A_45, %scan3A_44 : i32
        %dma_wait3A_47 = arith.constant 0 : i32
        %dma_wait3A_48 = tpu.memref_slice %arg9[%mul3A_46, %dma_wait3A_47] : memref<16x128xi32, #tpu.memory_space<vmem>> -> memref<1x128xi32, #tpu.memory_space<vmem>>
        %dma_wait3A_49 = tpu.memref_squeeze %dma_wait3A_48 : memref<1x128xi32, #tpu.memory_space<vmem>> -> memref<128xi32, #tpu.memory_space<vmem>>
        %dma_wait3A_50 = arith.constant 0 : i32
        %dma_wait3A_51 = arith.constant 0 : i32
        %dma_wait3A_52 = tpu.memref_slice %arg2[%dma_wait3A_50, %dma_wait3A_51] : memref<200192x8xf32, #tpu.memory_space<hbm>> -> memref<200192x8xf32, #tpu.memory_space<hbm>>
        tpu.wait_indirect_dma semaphore(%arg12 : memref<!tpu.dma_semaphore, #tpu.memory_space<semaphore_mem>>) src(%dma_wait3A_52 : memref<200192x8xf32, #tpu.memory_space<hbm>>) dst(%arg10 : memref<128x8xf32, #tpu.memory_space<vmem>>)
        %dma_start3A_53 = arith.constant 0 : i32
        %dma_start3A_54 = tpu.memref_slice %arg8[%mul3A_46, %dma_start3A_53] : memref<16x128xi32, #tpu.memory_space<vmem>> -> memref<1x128xi32, #tpu.memory_space<vmem>>
        %dma_start3A_55 = tpu.memref_squeeze %dma_start3A_54 : memref<1x128xi32, #tpu.memory_space<vmem>> -> memref<128xi32, #tpu.memory_space<vmem>>
        %dma_start3A_56 = arith.constant 0 : i32
        %dma_start3A_57 = arith.constant 0 : i32
        %dma_start3A_58 = tpu.memref_slice %arg7[%dma_start3A_56, %dma_start3A_57] : memref<100096x8xf32, #tpu.memory_space<vmem_shared>> -> memref<100096x8xf32, #tpu.memory_space<vmem_shared>>
        tpu.enqueue_indirect_dma source(%arg10 : memref<128x8xf32, #tpu.memory_space<vmem>>) target(%dma_start3A_58 : memref<100096x8xf32, #tpu.memory_space<vmem_shared>>) offsets(%dma_start3A_55 : memref<128xi32, #tpu.memory_space<vmem>>) semaphore(%arg14 : memref<!tpu.dma_semaphore, #tpu.memory_space<semaphore_mem>>) {add = true}
        %add3A = arith.constant 2 : i32
        %add3A_59 = arith.addi %mul3A_46, %add3A : i32
        %lt3A = arith.constant 16 : i32
        %lt3A_60 = arith.cmpi slt, %add3A_59, %lt3A : i32
        %convert_element_type3A = arith.extui %lt3A_60 : i1 to i32
        %cond3A = arith.constant 0 : i32
        %cond3A_61 = arith.cmpi ne, %convert_element_type3A, %cond3A : i32
        scf.if %cond3A_61 {
          %dma_wait3A_85 = arith.constant 0 : i32
          %dma_wait3A_86 = tpu.memref_slice %arg8[%mul3A_46, %dma_wait3A_85] : memref<16x128xi32, #tpu.memory_space<vmem>> -> memref<1x128xi32, #tpu.memory_space<vmem>>
          %dma_wait3A_87 = tpu.memref_squeeze %dma_wait3A_86 : memref<1x128xi32, #tpu.memory_space<vmem>> -> memref<128xi32, #tpu.memory_space<vmem>>
          %dma_wait3A_88 = arith.constant 0 : i32
          %dma_wait3A_89 = arith.constant 0 : i32
          %dma_wait3A_90 = tpu.memref_slice %arg7[%dma_wait3A_88, %dma_wait3A_89] : memref<100096x8xf32, #tpu.memory_space<vmem_shared>> -> memref<100096x8xf32, #tpu.memory_space<vmem_shared>>
          tpu.wait_indirect_dma semaphore(%arg14 : memref<!tpu.dma_semaphore, #tpu.memory_space<semaphore_mem>>) src(%arg10 : memref<128x8xf32, #tpu.memory_space<vmem>>) dst(%dma_wait3A_90 : memref<100096x8xf32, #tpu.memory_space<vmem_shared>>)
          %add3A_91 = arith.constant 2 : i32
          %add3A_92 = arith.addi %mul3A_46, %add3A_91 : i32
          %dma_start3A_93 = arith.constant 0 : i32
          %dma_start3A_94 = tpu.memref_slice %arg9[%add3A_92, %dma_start3A_93] : memref<16x128xi32, #tpu.memory_space<vmem>> -> memref<1x128xi32, #tpu.memory_space<vmem>>
          %dma_start3A_95 = tpu.memref_squeeze %dma_start3A_94 : memref<1x128xi32, #tpu.memory_space<vmem>> -> memref<128xi32, #tpu.memory_space<vmem>>
          %dma_start3A_96 = arith.constant 0 : i32
          %dma_start3A_97 = arith.constant 0 : i32
          %dma_start3A_98 = tpu.memref_slice %arg2[%dma_start3A_96, %dma_start3A_97] : memref<200192x8xf32, #tpu.memory_space<hbm>> -> memref<200192x8xf32, #tpu.memory_space<hbm>>
          tpu.enqueue_indirect_dma source(%dma_start3A_98 : memref<200192x8xf32, #tpu.memory_space<hbm>>) target(%arg10 : memref<128x8xf32, #tpu.memory_space<vmem>>) offsets(%dma_start3A_95 : memref<128xi32, #tpu.memory_space<vmem>>) semaphore(%arg12 : memref<!tpu.dma_semaphore, #tpu.memory_space<semaphore_mem>>)
        } else {
        }
        %add3A_62 = arith.constant 1 : i32
        %add3A_63 = arith.addi %mul3A_46, %add3A_62 : i32
        %dma_wait3A_64 = arith.constant 0 : i32
        %dma_wait3A_65 = tpu.memref_slice %arg9[%add3A_63, %dma_wait3A_64] : memref<16x128xi32, #tpu.memory_space<vmem>> -> memref<1x128xi32, #tpu.memory_space<vmem>>
        %dma_wait3A_66 = tpu.memref_squeeze %dma_wait3A_65 : memref<1x128xi32, #tpu.memory_space<vmem>> -> memref<128xi32, #tpu.memory_space<vmem>>
        %dma_wait3A_67 = arith.constant 0 : i32
        %dma_wait3A_68 = arith.constant 0 : i32
        %dma_wait3A_69 = tpu.memref_slice %arg2[%dma_wait3A_67, %dma_wait3A_68] : memref<200192x8xf32, #tpu.memory_space<hbm>> -> memref<200192x8xf32, #tpu.memory_space<hbm>>
        tpu.wait_indirect_dma semaphore(%arg13 : memref<!tpu.dma_semaphore, #tpu.memory_space<semaphore_mem>>) src(%dma_wait3A_69 : memref<200192x8xf32, #tpu.memory_space<hbm>>) dst(%arg11 : memref<128x8xf32, #tpu.memory_space<vmem>>)
        %add3A_70 = arith.constant 1 : i32
        %add3A_71 = arith.addi %mul3A_46, %add3A_70 : i32
        %dma_start3A_72 = arith.constant 0 : i32
        %dma_start3A_73 = tpu.memref_slice %arg8[%add3A_71, %dma_start3A_72] : memref<16x128xi32, #tpu.memory_space<vmem>> -> memref<1x128xi32, #tpu.memory_space<vmem>>
        %dma_start3A_74 = tpu.memref_squeeze %dma_start3A_73 : memref<1x128xi32, #tpu.memory_space<vmem>> -> memref<128xi32, #tpu.memory_space<vmem>>
        %dma_start3A_75 = arith.constant 0 : i32
        %dma_start3A_76 = arith.constant 0 : i32
        %dma_start3A_77 = tpu.memref_slice %arg7[%dma_start3A_75, %dma_start3A_76] : memref<100096x8xf32, #tpu.memory_space<vmem_shared>> -> memref<100096x8xf32, #tpu.memory_space<vmem_shared>>
        tpu.enqueue_indirect_dma source(%arg11 : memref<128x8xf32, #tpu.memory_space<vmem>>) target(%dma_start3A_77 : memref<100096x8xf32, #tpu.memory_space<vmem_shared>>) offsets(%dma_start3A_74 : memref<128xi32, #tpu.memory_space<vmem>>) semaphore(%arg15 : memref<!tpu.dma_semaphore, #tpu.memory_space<semaphore_mem>>) {add = true}
        %add3A_78 = arith.constant 3 : i32
        %add3A_79 = arith.addi %mul3A_46, %add3A_78 : i32
        %lt3A_80 = arith.constant 16 : i32
        %lt3A_81 = arith.cmpi slt, %add3A_79, %lt3A_80 : i32
        %convert_element_type3A_82 = arith.extui %lt3A_81 : i1 to i32
        %cond3A_83 = arith.constant 0 : i32
        %cond3A_84 = arith.cmpi ne, %convert_element_type3A_82, %cond3A_83 : i32
        scf.if %cond3A_84 {
          %add3A_85 = arith.constant 1 : i32
          %add3A_86 = arith.addi %mul3A_46, %add3A_85 : i32
          %dma_wait3A_87 = arith.constant 0 : i32
          %dma_wait3A_88 = tpu.memref_slice %arg8[%add3A_86, %dma_wait3A_87] : memref<16x128xi32, #tpu.memory_space<vmem>> -> memref<1x128xi32, #tpu.memory_space<vmem>>
          %dma_wait3A_89 = tpu.memref_squeeze %dma_wait3A_88 : memref<1x128xi32, #tpu.memory_space<vmem>> -> memref<128xi32, #tpu.memory_space<vmem>>
          %dma_wait3A_90 = arith.constant 0 : i32
          %dma_wait3A_91 = arith.constant 0 : i32
          %dma_wait3A_92 = tpu.memref_slice %arg7[%dma_wait3A_90, %dma_wait3A_91] : memref<100096x8xf32, #tpu.memory_space<vmem_shared>> -> memref<100096x8xf32, #tpu.memory_space<vmem_shared>>
          tpu.wait_indirect_dma semaphore(%arg15 : memref<!tpu.dma_semaphore, #tpu.memory_space<semaphore_mem>>) src(%arg11 : memref<128x8xf32, #tpu.memory_space<vmem>>) dst(%dma_wait3A_92 : memref<100096x8xf32, #tpu.memory_space<vmem_shared>>)
          %add3A_93 = arith.constant 3 : i32
          %add3A_94 = arith.addi %mul3A_46, %add3A_93 : i32
          %dma_start3A_95 = arith.constant 0 : i32
          %dma_start3A_96 = tpu.memref_slice %arg9[%add3A_94, %dma_start3A_95] : memref<16x128xi32, #tpu.memory_space<vmem>> -> memref<1x128xi32, #tpu.memory_space<vmem>>
          %dma_start3A_97 = tpu.memref_squeeze %dma_start3A_96 : memref<1x128xi32, #tpu.memory_space<vmem>> -> memref<128xi32, #tpu.memory_space<vmem>>
          %dma_start3A_98 = arith.constant 0 : i32
          %dma_start3A_99 = arith.constant 0 : i32
          %dma_start3A_100 = tpu.memref_slice %arg2[%dma_start3A_98, %dma_start3A_99] : memref<200192x8xf32, #tpu.memory_space<hbm>> -> memref<200192x8xf32, #tpu.memory_space<hbm>>
          tpu.enqueue_indirect_dma source(%dma_start3A_100 : memref<200192x8xf32, #tpu.memory_space<hbm>>) target(%arg11 : memref<128x8xf32, #tpu.memory_space<vmem>>) offsets(%dma_start3A_97 : memref<128xi32, #tpu.memory_space<vmem>>) semaphore(%arg13 : memref<!tpu.dma_semaphore, #tpu.memory_space<semaphore_mem>>)
        } else {
        }
      }
      %scan3A_30 = arith.constant 8 : i32
      %dma_wait3A = arith.constant 14 : i32
      %dma_wait3A_31 = arith.constant 0 : i32
      %dma_wait3A_32 = tpu.memref_slice %arg8[%dma_wait3A, %dma_wait3A_31] : memref<16x128xi32, #tpu.memory_space<vmem>> -> memref<1x128xi32, #tpu.memory_space<vmem>>
      %dma_wait3A_33 = tpu.memref_squeeze %dma_wait3A_32 : memref<1x128xi32, #tpu.memory_space<vmem>> -> memref<128xi32, #tpu.memory_space<vmem>>
      %dma_wait3A_34 = arith.constant 0 : i32
      %dma_wait3A_35 = arith.constant 0 : i32
      %dma_wait3A_36 = tpu.memref_slice %arg7[%dma_wait3A_34, %dma_wait3A_35] : memref<100096x8xf32, #tpu.memory_space<vmem_shared>> -> memref<100096x8xf32, #tpu.memory_space<vmem_shared>>
      tpu.wait_indirect_dma semaphore(%arg14 : memref<!tpu.dma_semaphore, #tpu.memory_space<semaphore_mem>>) src(%arg10 : memref<128x8xf32, #tpu.memory_space<vmem>>) dst(%dma_wait3A_36 : memref<100096x8xf32, #tpu.memory_space<vmem_shared>>)
      %dma_wait3A_37 = arith.constant 15 : i32
      %dma_wait3A_38 = arith.constant 0 : i32
      %dma_wait3A_39 = tpu.memref_slice %arg8[%dma_wait3A_37, %dma_wait3A_38] : memref<16x128xi32, #tpu.memory_space<vmem>> -> memref<1x128xi32, #tpu.memory_space<vmem>>
      %dma_wait3A_40 = tpu.memref_squeeze %dma_wait3A_39 : memref<1x128xi32, #tpu.memory_space<vmem>> -> memref<128xi32, #tpu.memory_space<vmem>>
      %dma_wait3A_41 = arith.constant 0 : i32
      %dma_wait3A_42 = arith.constant 0 : i32
      %dma_wait3A_43 = tpu.memref_slice %arg7[%dma_wait3A_41, %dma_wait3A_42] : memref<100096x8xf32, #tpu.memory_space<vmem_shared>> -> memref<100096x8xf32, #tpu.memory_space<vmem_shared>>
      tpu.wait_indirect_dma semaphore(%arg15 : memref<!tpu.dma_semaphore, #tpu.memory_space<semaphore_mem>>) src(%arg11 : memref<128x8xf32, #tpu.memory_space<vmem>>) dst(%dma_wait3A_43 : memref<100096x8xf32, #tpu.memory_space<vmem_shared>>)
    }
    %scan3A_5 = arith.constant 37 : i32
    %barrier3A_6 = arith.constant 0 : index
    tpu.barrier barrier_id(%barrier3A_6)
    "tpu.region"() ({
      %run_scoped3A = tpu.sem_alloc : memref<!tpu.dma_semaphore, #tpu.memory_space<semaphore_mem>>
      %dma_start3A = arith.constant 0 : i32
      %dma_start3A_7 = tpu.memref_slice %arg6[%arg0, %mul3A_0, %dma_start3A] : memref<2x100096x8xf32, #tpu.memory_space<hbm>> -> memref<1x6256x8xf32, #tpu.memory_space<hbm>>
      %dma_start3A_8 = tpu.memref_squeeze %dma_start3A_7 : memref<1x6256x8xf32, #tpu.memory_space<hbm>> -> memref<6256x8xf32, #tpu.memory_space<hbm>>
      %dma_start3A_9 = arith.constant 0 : i32
      %dma_start3A_10 = tpu.memref_slice %arg7[%mul3A_0, %dma_start3A_9] : memref<100096x8xf32, #tpu.memory_space<vmem_shared>> -> memref<6256x8xf32, #tpu.memory_space<vmem_shared>>
      tpu.enqueue_dma source(%dma_start3A_10 : memref<6256x8xf32, #tpu.memory_space<vmem_shared>>) target(%dma_start3A_8 : memref<6256x8xf32, #tpu.memory_space<hbm>>) target_semaphore(%run_scoped3A : memref<!tpu.dma_semaphore, #tpu.memory_space<semaphore_mem>>)
      %dma_wait3A = arith.constant 0 : i32
      %dma_wait3A_11 = tpu.memref_slice %arg6[%arg0, %mul3A_0, %dma_wait3A] : memref<2x100096x8xf32, #tpu.memory_space<hbm>> -> memref<1x6256x8xf32, #tpu.memory_space<hbm>>
      %dma_wait3A_12 = tpu.memref_squeeze %dma_wait3A_11 : memref<1x6256x8xf32, #tpu.memory_space<hbm>> -> memref<6256x8xf32, #tpu.memory_space<hbm>>
      %dma_wait3A_13 = arith.constant 0 : i32
      %dma_wait3A_14 = tpu.memref_slice %arg7[%mul3A_0, %dma_wait3A_13] : memref<100096x8xf32, #tpu.memory_space<vmem_shared>> -> memref<6256x8xf32, #tpu.memory_space<vmem_shared>>
      tpu.wait_dma2 semaphore(%run_scoped3A : memref<!tpu.dma_semaphore, #tpu.memory_space<semaphore_mem>>) src(%dma_wait3A_14 : memref<6256x8xf32, #tpu.memory_space<vmem_shared>>) dst(%dma_wait3A_12 : memref<6256x8xf32, #tpu.memory_space<hbm>>)
      tpu.yield
    }) : () -> ()
    return
  }
}

module attributes {stable_mosaic.version = 14 : i64} {
  func.func @body(%arg0: i32, %arg1: memref<512x8xf32, #tpu.memory_space<vmem>>, %arg2: memref<512x8xf32, #tpu.memory_space<vmem>>, %arg3: memref<512x8xf32, #tpu.memory_space<vmem>>) attributes {dimension_semantics = [#tpu.dimension_semantics<arbitrary>], iteration_bounds = array<i64: 391>, scalar_prefetch = 0 : i64, scratch_operands = 0 : i64, tpu.core_type = #tpu.core_type<tc>, window_params = [{transform_indices = @transform_0, window_bounds = array<i64: 512, 8>}, {transform_indices = @transform_1, window_bounds = array<i64: 512, 8>}, {transform_indices = @transform_2, window_bounds = array<i64: 512, 8>}]} {
    %get3A = arith.constant 0 : index
    %get3A_0 = arith.constant 0 : index
    %get3A_1 = vector.load %arg1[%get3A, %get3A_0] : memref<512x8xf32, #tpu.memory_space<vmem>>, vector<512x8xf32>
    %get3A_2 = arith.constant 0 : index
    %get3A_3 = arith.constant 0 : index
    %get3A_4 = vector.load %arg2[%get3A_2, %get3A_3] : memref<512x8xf32, #tpu.memory_space<vmem>>, vector<512x8xf32>
    %slice3A = vector.extract_strided_slice %get3A_1 {offsets = [0, 3], sizes = [512, 1], strides = [1, 1]} : vector<512x8xf32> to vector<512x1xf32>
    %mul3A = vector.broadcast %slice3A : vector<512x1xf32> to vector<512x8xf32>
    %mul3A_5 = arith.mulf %mul3A, %get3A_4 : vector<512x8xf32>
    %sub3A = arith.subf %mul3A_5, %get3A_1 : vector<512x8xf32>
    %add3A = arith.constant 9.99999996E-13 : f32
    %add3A_6 = vector.broadcast %add3A : f32 to vector<512x1xf32>
    %add3A_7 = arith.addf %slice3A, %add3A_6 : vector<512x1xf32>
    %div3A = vector.broadcast %add3A_7 : vector<512x1xf32> to vector<512x8xf32>
    %div3A_8 = arith.divf %sub3A, %div3A : vector<512x8xf32>
    %swap3A = arith.constant 0 : index
    %swap3A_9 = arith.constant 0 : index
    %swap3A_10 = vector.load %arg3[%swap3A, %swap3A_9] : memref<512x8xf32, #tpu.memory_space<vmem>>, vector<512x8xf32>
    tpu.vector_store %arg3[%swap3A, %swap3A_9], %div3A_8 {strides = array<i32>} : memref<512x8xf32, #tpu.memory_space<vmem>>, vector<512x8xf32>,
    return
  }
  func.func @transform_0(%arg0: i32) -> (i32, i32) {
    %c0_i32 = arith.constant 0 : i32
    %c0_i32_0 = arith.constant 0 : i32
    return %arg0, %c0_i32 : i32, i32
  }
  func.func @transform_1(%arg0: i32) -> (i32, i32) {
    %c0_i32 = arith.constant 0 : i32
    %c0_i32_0 = arith.constant 0 : i32
    return %arg0, %c0_i32 : i32, i32
  }
  func.func @transform_2(%arg0: i32) -> (i32, i32) {
    %c0_i32 = arith.constant 0 : i32
    %c0_i32_0 = arith.constant 0 : i32
    return %arg0, %c0_i32 : i32, i32
  }
}

</mosaic_0001>

<sc_bundles>
// kernel: kernel.4.cloned.1.call-start
scs
__scs_entry_jumppad:
0x0: {  	(pc) =	sbr.rel $0x88, $3  }
0x1: {  	(tag) =	ssettag $0x0;
	lr =	simm.s32 $0x1  }
0x2: {  	[smem:$0x3F9F] =	sst lr;
	_ =	strace $0xD0000000  }
0x3: {  	_ = 	snop  }
0x4: {  	_ = 	snop  }
0x5: {  	_ = 	snop  }
0x6: {  	_ = 	snop  }
0x7: {  	_ = 	snop  }
__scs_overlays_trampoline_lowered:
0x8: {  	[smem:$0x3FAE] =	sst s0  }
0x9: {  	[smem:$0x3FAF] =	sst s1  }
0xa: {  	[smem:$0x3FB0] =	sst s2  }
0xb: {  	[smem:$0x3FB1] =	sst s3  }
0xc: {  	[smem:$0x3FB2] =	sst s4  }
0xd: {  	[smem:$0x3FB3] =	sst s5  }
0xe: {  	[smem:$0x3FB4] =	sst s6  }
0xf: {  	[smem:$0x3FB5] =	sst s7  }
0x10: {  	[smem:$0x3FB6] =	sst s8  }
0x11: {  	[smem:$0x3FB7] =	sst s9;
	s0 =	simm.s32 @!p0 $0x0  }
0x12: {  	s1 =	sld [smem:$0x3F9D];
	s0 =	simm.s32 @p0 $0x1  }
0x13: {  	[smem:$0x3FB8] =	sst s0;
	s0 =	simm.s32 @!p1 $0x0  }
0x14: {  	s2 =	sld [smem:$0x3F9C];
	s0 =	simm.s32 @p1 $0x1  }
0x15: {  	[smem:$0x3FB9] =	sst s0;
	s0 =	simm.s32 @!p2 $0x0  }
0x16: {  	s3 =	sld [smem:$0x3FDB];
	s0 =	simm.s32 @p2 $0x1  }
0x17: {  	s4 =	simm.s32 $0x1BF5;
	[smem:$0x3FBB] =	sst s0  }
0x18: {  	s0 =	sld [smem:$0x3F9E];
	_ =	swait.ge [sflag:s4], $0x0  }
0x19: {  	s7 =	sld [smem:$0x3F9F]  }
0x1a: {  	s8 =	sadd.s32 $0xFFFFE003, lr  }
0x1b: {  	s9 =	sadd.s32 $0xFFFFFEF7, lr;
	s5 =	simm.s32 $0xFFFFFFFF;
	p2 =	slt.u32 s8, $0xFFFFF086  }
0x1c: {  	p1 =	slt.u32 s9, $0xF7A;
	s5 =	simm.s32 @!p2 $0x0  }
0x1d: {  	s5 =	simm.s32 @p1 $0x1;
	p0 =	seq.s32 s7, s2  }
0x1e: {  	s7 =	smul.u32 @!p0 $0xF7A, s2;
	p2 =	seq.s32 @!p0 s5, $0x0  }
0x1f: {  	s9 =	smul.u32 $0xF7A, s1;
	s8 =	simm.s32 @!p0 $0x1BF5;
	p2 =	por !p2, p0  }
0x20: {  	[sflag:s8] =	ssyncset.s32 @!p0 $0xFFFFF086;
	s6 =	sadd.s32 @!p0 s3, s7;
	s7 =	simm.s32 @!p0 $0x108  }
0x21: {  	s3 =	sadd.s32 s3, s9;
	s6 =	sadd.s32 @!p0 $0x88, s6;
	s7 =	simm.s32 @p2 $0x1082  }
0x22: {  	[simem:s7], [sflag:s8] =	dma.local @!p0 [hbm:s6], $0xF7A  }
0x23: {  	s9 =	sor.u32 $0xD0000000, s2;
	s6 =	simm.s32 $0x108;
	_ =	swait.ge @!p0 [sflag:s8], $0x0  }
0x24: {  	s3 =	sadd.s32 $0x88, s3;
	s6 =	simm.s32 @!p1 $0x1082;
	[sflag:s4] =	ssyncset.s32 $0xFFFFF086  }
0x25: {  	[simem:s6], [sflag:s4] =	dma.local [hbm:s3], $0xF7A  }
0x26: {  	[smem:$0x3F9F] =	sst s1;
	(tag) =	ssettag s2;
	_ =	strace s9  }
0x27: {  	s1 =	sld [smem:$0x3FAF]  }
0x28: {  	s2 =	sld [smem:$0x3FB0]  }
0x29: {  	s4 =	sld [smem:$0x3FB2]  }
0x2a: {  	p0 =	seq.s32 s5, $0x0;
	s5 =	sld [smem:$0x3FB3]  }
0x2b: {  	s6 =	sld [smem:$0x3FB4]  }
0x2c: {  	s7 =	sld [smem:$0x3FB5]  }
0x2d: {  	s3 =	simm.s32 $0x108;
	s8 =	sld [smem:$0x3FB6]  }
0x2e: {  	s3 =	simm.s32 @!p0 $0x1082;
	s9 =	sld [smem:$0x3FB7]  }
0x2f: {  	lr =	sadd.s32 s0, s3;
	s0 =	sld [smem:$0x3FAE]  }
0x30: {  	s3 =	sld [smem:$0x3FB1]  }
0x31: {  	[smem:$0x3FBA] =	sst s10  }
0x32: {  	s10 =	sld [smem:$0x3FB8];
	_ =	sdelay $0x3  }
0x33: {  	p0 =	seq.s32 s10, $0x1;
	s10 =	sld [smem:$0x3FBA];
	_ =	sdelay $0x3  }
0x34: {  	[smem:$0x3FBA] =	sst s10  }
0x35: {  	s10 =	sld [smem:$0x3FB9];
	_ =	sdelay $0x3  }
0x36: {  	p1 =	seq.s32 s10, $0x1;
	s10 =	sld [smem:$0x3FBA];
	_ =	sdelay $0x3  }
0x37: {  	[smem:$0x3FBA] =	sst s10  }
0x38: {  	s10 =	sld [smem:$0x3FBB]  }
0x39: {  	_ = 	snop;
	(pc) =	sbr.ind lr, $3  }
0x3a: {  	_ = 	snop  }
0x3b: {  	_ = 	snop  }
0x3c: {  	p2 =	seq.s32 s10, $0x1;
	s10 =	sld [smem:$0x3FBA]  }
0x3d: {  	_ =	shalt  }
0x3e: {  	_ =	shalt  }
0x3f: {  	_ =	shalt  }
0x40: {  	_ =	shalt  }
0x41: {  	_ =	shalt  }
0x42: {  	_ =	shalt  }
0x43: {  	_ =	shalt  }
0x44: {  	_ =	shalt  }
0x45: {  	_ =	shalt  }
0x46: {  	_ =	shalt  }
0x47: {  	_ =	shalt  }
0x48: {  	_ =	shalt  }
0x49: {  	_ =	shalt  }
0x4a: {  	_ =	shalt  }
0x4b: {  	_ =	shalt  }
0x4c: {  	_ =	shalt  }
0x4d: {  	_ =	shalt  }
0x4e: {  	_ =	shalt  }
0x4f: {  	_ =	shalt  }
0x50: {  	_ =	shalt  }
0x51: {  	_ =	shalt  }
0x52: {  	_ =	shalt  }
0x53: {  	_ =	shalt  }
0x54: {  	_ =	shalt  }
0x55: {  	_ =	shalt  }
0x56: {  	_ =	shalt  }
0x57: {  	_ =	shalt  }
0x58: {  	_ =	shalt  }
0x59: {  	_ =	shalt  }
0x5a: {  	_ =	shalt  }
0x5b: {  	_ =	shalt  }
0x5c: {  	_ =	shalt  }
0x5d: {  	_ =	shalt  }
0x5e: {  	_ =	shalt  }
0x5f: {  	_ =	shalt  }
0x60: {  	_ =	shalt  }
0x61: {  	_ =	shalt  }
0x62: {  	_ =	shalt  }
0x63: {  	_ =	shalt  }
0x64: {  	_ =	shalt  }
0x65: {  	_ =	shalt  }
0x66: {  	_ =	shalt  }
0x67: {  	_ =	shalt  }
0x68: {  	_ =	shalt  }
0x69: {  	_ =	shalt  }
0x6a: {  	_ =	shalt  }
0x6b: {  	_ =	shalt  }
0x6c: {  	_ =	shalt  }
0x6d: {  	_ =	shalt  }
0x6e: {  	_ =	shalt  }
0x6f: {  	_ =	shalt  }
0x70: {  	_ =	shalt  }
0x71: {  	_ =	shalt  }
0x72: {  	_ =	shalt  }
0x73: {  	_ =	shalt  }
0x74: {  	_ =	shalt  }
0x75: {  	_ =	shalt  }
0x76: {  	_ =	shalt  }
0x77: {  	_ =	shalt  }
0x78: {  	_ =	shalt  }
0x79: {  	_ =	shalt  }
0x7a: {  	_ =	shalt  }
0x7b: {  	_ =	shalt  }
0x7c: {  	_ =	shalt  }
0x7d: {  	_ =	shalt  }
0x7e: {  	_ =	shalt  }
0x7f: {  	_ =	shalt  }
0x80: {  	_ =	shalt  }
0x81: {  	_ =	shalt  }
0x82: {  	_ =	shalt  }
0x83: {  	_ =	shalt  }
0x84: {  	_ =	shalt  }
0x85: {  	_ =	shalt  }
0x86: {  	_ =	shalt  }
0x87: {  	_ =	shalt  }
.Lfunc_end0:
.L_simem_size_0:
called_computation_lowered:
.L_overlay_start_0:
0x88: {  	s2 =	sld [smem:$0x3FD9]  }
0x89: {  	s3 =	sld [smem:$0x3FFE];
	_ =	sdelay $0x1  }
0x8a: {  	s1 =	srdreg.scid  }
0x8b: {  	s0 =	sand.u32 $0x1, s1  }
0x8c: {  	s16 =	sshll.u32 s0, $0xA;
	s2 =	sadd.s32 s3, s2  }
0x8d: {  	s2 =	sadd.s32 s2, s16  }
0x8e: {  	[smem:$0x3FC6] =	sst s2  }
0x8f: {  	_ = 	snop  }
0x90: {  	(tm) =	ssettm $0x1  }
0x91: {  	s17 =	sld [smem:$0x3FFB];
	_ =	sdelay $0x3  }
0x92: {  	_ =	strace s17  }
0x93: {  	s2 =	sld [smem:$0x3FFC];
	_ =	sdelay $0x3  }
0x94: {  	_ =	strace s2  }
0x95: {  	s2 =	sld [smem:$0x3FFD];
	_ =	sdelay $0x3  }
0x96: {  	_ =	strace s2  }
0x97: {  	_ =	strace $0x8FFFFFFF  }
0x98: {  	s18 =	sld [smem:$0x3FDB];
	_ =	sdelay $0x1  }
0x99: {  	s19 =	simm.s32 $_scs_section_size  }
0x9a: {  	s4 =	simm.s32 $_size__tile_overlayer_lowered;
	s5 =	simm.s32 $_tile_overlayer_lowered  }
0x9b: {  	s22 =	simm.s32 $0x1BFF;
	s21 =	sshll.u32 s5, $0x1;
	s2 =	sadd.s32 s19, s18  }
0x9c: {  	s6 =	simm.s32 $0x0;
	s20 =	sshll.u32 s4, $0x1;
	s4 =	sadd.s32 s21, s2  }
0x9d: {  	[timem:s6], [sflag:s22] =	dma.local [hbm:s4], s20  }
0x9e: {  	_ =	swait.ge [sflag:s22], s20  }
0x9f: {  	s3 =	ssub.s32 $0x0, s20;
	[sflag:s22] =	ssyncset.done $0x0  }
0xa0: {  	[sflag:s22] =	ssyncadd.s32 s3;
	_ =	sdelay $0x1  }
0xa1: {  	s23 =	simm.s32 $0x1B8B  }
0xa2: {  	_ =	swait.ge [sflag:s23], $0x1  }
0xa3: {  	[sflag:s23] =	ssyncset.done $0x0  }
0xa4: {  	s25 =	simm.s32 $0x1B8E;
	s24 =	sld [smem:$0x3FFE];
	[sflag:s23] =	ssyncadd.s32 $0xFFFFFFFF  }
0xa5: {  	s26 =	simm.s32 $execute0_lowered;
	[smem:$0x3FD2] =	sst s25  }
0xa6: {  	s4 =	sshll.u32 s26, $0x1;
	_ =	strace $0x80000046;
	[dreg:$0x1] =	wrdreg $0xFFFFFFFF  }
0xa7: {  	s28 =	simm.s32 $_size_execute0_lowered;
	s2 =	sadd.s32 s2, s4;
	[dreg:$0x0] =	wrdreg $0x0  }
0xa8: {  	s4 =	sshll.u32 s28, $0x1;
	[dreg:$0x2] =	wrdreg s2  }
0xa9: {  	[dreg:$0x3] =	wrdreg s4  }
0xaa: {  	[dreg:$0x4] =	wrdreg $0xC0  }
0xab: {  	_ =	task [dreg:s6], $0x5FFFF  }
0xac: {  	[dreg:$0x1] =	wrdreg $0xFFFFFFFF  }
0xad: {  	[dreg:$0x0] =	wrdreg $0x60  }
0xae: {  	[dreg:$0x2] =	wrdreg s24  }
0xaf: {  	[dreg:$0x3] =	wrdreg $0x0  }
0xb0: {  	[dreg:$0x4] =	wrdreg $0x9  }
0xb1: {  	_ =	task.clear_ibuf [dreg:s6], $0x5FFFF;
	_ =	strace $0x90000046  }
0xb2: {  	s29 =	simm.s32 $0x9;
	_ =	strace $0x80000048  }
0xb3: {  	_ =	swait.ge [sflag:s29], $0x1  }
0xb4: {  	[sflag:s29] =	ssyncadd.s32 $0xFFFFFFFF  }
0xb5: {  	_ =	strace $0x90000048  }
0xb6: {  	_ =	sfence  }
0xb7: {  	s30 =	sld [smem:$0x0];
	_ =	sdelay $0x2  }
0xb8: {  	s31 =	sshll.u32 s1, $0xD;
	s1 =	sshrl.u32 s1, $0x2  }
0xb9: {  	s3 =	sand.u32 $0x4000, s31;
	s1 =	sadd.s32 s1, s30  }
0xba: {  	s0 =	sor.u32 s3, s0;
	s1 =	sshll.u32 s1, $0x11  }
0xbb: {  	s0 =	sor.u32 s1, s0  }
0xbc: {  	s0 =	sadd.s32 $0x8F2B, s0  }
0xbd: {  	[sflag:s0] =	ssyncadd.remote.s32 $0x1  }
0xbe: {  	_ =	sfence.sel $0xFFFF  }
0xbf: {  	[dreg:$0x0] =	wrdreg $0xFFFFFFFF;
	(pc) =	sbr.abs _section_cstart, $3  }
0xc0: {  	[dreg:$0x1] =	wrdreg $0xFFFFFFFF  }
0xc1: {  	_ =	task.clear_ibuf [dreg:s6], $0x2FFFF;
	_ =	strace $0x9FFFFFFF  }
0xc2: {  	(tm) =	ssettm $0x7FFFFFFF  }
0xc3: {  	_ =	shalt  }
tec
execute0_lowered:
.L_overlay_start_1:
0x0: {  	(tag) =	ssettag $0x1  }
0x1: {  	s0 =	srdreg.scid;
	s5 =	rddreg [dreg:$0x0]  }
0x2: {  	s9 =	stileid.u32;
	s2 =	rddreg [dreg:$0x1];
	s3 =	simm.s32 $0x0  }
0x3: {  	s10 =	simm.s32 $0xCC80;
	s12 =	simm.s32 $0xC400;
	s14 =	simm.s32 $0xCD00  }
0x4: {  	s15 =	simm.s32 $0xC480;
	s16 =	simm.s32 $0xCD80;
	[smem:$0x7FF] =	sst s3  }
0x5: {  	s17 =	simm.s32 $0xC500;
	_ =	strace $0x80000047;
	[dreg:$0x6] =	wrdreg s10  }
0x6: {  	s18 =	simm.s32 $0xCE00;
	s19 =	simm.s32 $0xC580;
	[dreg:$0x7] =	wrdreg s12  }
0x7: {  	s20 =	simm.s32 $0xCE80;
	s21 =	simm.s32 $0xC600;
	[dreg:$0x8] =	wrdreg s14  }
0x8: {  	s22 =	simm.s32 $0xCF00;
	s23 =	simm.s32 $0xC680;
	[dreg:$0x9] =	wrdreg s15  }
0x9: {  	s24 =	simm.s32 $0xCF80;
	s25 =	simm.s32 $0xC700;
	[dreg:$0xa] =	wrdreg s16  }
0xa: {  	s28 =	simm.s32 $0xD200;
	s29 =	simm.s32 $0xC980;
	[dreg:$0xb] =	wrdreg s17  }
0xb: {  	s30 =	simm.s32 $0xD280;
	s31 =	simm.s32 $0xCA00;
	[dreg:$0xc] =	wrdreg s18  }
0xc: {  	s0 =	sand.u32 $0x1, s0;
	s4 =	smul.u32 $0x12800, s9;
	[dreg:$0xd] =	wrdreg s19  }
0xd: {  	s6 =	smul.u32 $0xC380, s9;
	s13 =	sshll.u32 s9, $0x6;
	[dreg:$0xe] =	wrdreg s20  }
0xe: {  	s9 =	simm.s32 $0x0;
	s1 =	smul.u32 $0x128000, s0;
	[dreg:$0xf] =	wrdreg s21  }
0xf: {  	s7 =	smul.u32 $0xC3800, s0;
	s0 =	ssub.s32 $0x2, s0;
	[dreg:$0x10] =	wrdreg s22  }
0x10: {  	s10 =	simm.s32 $0x5;
	s12 =	simm.s32 $0xCB80;
	[dreg:$0x11] =	wrdreg s23  }
0x11: {  	s14 =	simm.s32 $0xD380;
	s15 =	simm.s32 $0xD780;
	[dreg:$0x12] =	wrdreg s24  }
0x12: {  	s16 =	simm.s32 $0x1;
	s17 =	simm.s32 $0x3;
	[dreg:$0x13] =	wrdreg s25  }
0x13: {  	s18 =	simm.s32 $0x2;
	s19 =	simm.s32 $0x4;
	s20 =	simm.s32 $0xC780  }
0x14: {  	s21 =	simm.s32 $0xD080;
	s8 =	sshrl.u32 s0, $0x1;
	s1 =	sadd.s32 s4, s1  }
0x15: {  	s7 =	sadd.s32 s6, s7;
	s4 =	sadd.s32 $0x1A00, s5;
	s0 =	ssub.s32 s0, s8  }
0x16: {  	s8 =	simm.s32 $0xCC00;
	s6 =	sadd.s32 s6, s2;
	s1 =	sshrl.u32 s1, $0x3  }
0x17: {  	s7 =	sshrl.u32 s7, $0x3;
	[dreg:$0x5] =	wrdreg s8;
	s0 =	smax.u32 s0, $0x1  }
0x18: {  	s8 =	sshrl.u32 s6, $0x3;
	s1 =	sadd.s32 s1, s5;
	[dreg:$0x18] =	wrdreg s0  }
0x19: {  	s5 =	sadd.s32 s7, s5;
	s7 =	sor.u32 $0x1C05, s13;
	[dreg:$0x19] =	wrdreg s8  }
0x1a: {  	s22 =	simm.s32 $0xC800;
	s26 =	sadd.s32 $0x4B000, s1;
	[dreg:$0x16] =	wrdreg s7  }
0x1b: {  	s23 =	simm.s32 $0xD100;
	s1 =	sadd.s32 $0x95000, s1;
	[dreg:$0x3] =	wrdreg s26  }
0x1c: {  	s24 =	simm.s32 $0xC880;
	s11 =	sadd.s32 $0xDF000, s5;
	[dreg:$0x4] =	wrdreg s1  }
0x1d: {  	s25 =	simm.s32 $0xD180;
	s5 =	sadd.s32 $0x10FE00, s5;
	[dreg:$0x15] =	wrdreg s11  }
0x1e: {  	s13 =	simm.s32 $0x80;
	s0 =	simm.s32 $0xCA80;
	[dreg:$0x17] =	wrdreg s5  }
0x1f: {  	s11 =	simm.s32 $0xC380;
	s26 =	simm.s32 $0xD000;
	s1 =	simm.s32 $0xD300  }
0x20: {  	s5 =	simm.s32 $0xCB00;
	[dreg:$0x14] =	wrdreg s26;
	s26 =	simm.s32 $0xC900  }
.LBB2_1:
0x21: {  	[dreg:$0x1a] =	wrdreg s9  }
0x22: {  	s6 =	rddreg [dreg:$0x15]  }
0x23: {  	[spmem:s8], [sflag:s7] =	dma.local [hbm:s6], $0x1870  }
0x24: {  	_ =	swait.ge [sflag:s10], $0x1870  }
0x25: {  	[sflag:s10] =	ssyncset.done $0x0  }
0x26: {  	[sflag:s10] =	ssyncadd.s32 $0xFFFFE790  }
0x27: {  	[bflag:$0x0] =	sbarrier.arrive $0xFFFF  }
0x28: {  	s7 =	rddreg [dreg:$0x4]  }
0x29: {  	s6 =	sadd.s32 $0x0, s7  }
0x2a: {  	[tilespmem:s11], [sflag:$0x5] =	stream.linear.gather [hbm4b:s6+s3], $0x800, $0x38;
	[tilespmem:$0xDB80] =	vst v63  }
0x2b: {  	_ =	swait.ge [sflag:s10], $0x800  }
0x2c: {  	s8 =	rddreg [dreg:$0x3];
	[sflag:s10] =	ssyncset.done $0x0  }
0x2d: {  	[sflag:s10] =	ssyncadd.s32 $0xFFFFF800;
	s6 =	sadd.s32 $0x0, s8  }
0x2e: {  	[tilespmem:s12], [sflag:$0x5] =	stream.linear.gather [hbm4b:s6+s3], $0x800, $0x38;
	[tilespmem:$0xDB80] =	vst v63  }
0x2f: {  	_ =	swait.ge [sflag:s10], $0x800  }
0x30: {  	[sflag:s10] =	ssyncset.done $0x0  }
0x31: {  	[sflag:s10] =	ssyncadd.s32 $0xFFFFF800  }
0x32: {  	[tilespmem:s14], [sflag:$0x1] =	stream.indirect.gather [hbm4b:s4+s13], $0x8, s12, s13, $0xb8;
	[tilespmem:$0xDB80] =	vst v63  }
0x33: {  	s9 =	rddreg [dreg:$0x5]  }
0x34: {  	[tilespmem:s15], [sflag:$0x2] =	stream.indirect.gather [hbm4b:s4+s13], $0x8, s9, s13, $0xb8;
	[tilespmem:$0xDB80] =	vst v63  }
0x35: {  	_ =	swait.ge [sflag:s16], $0x400  }
0x36: {  	[sflag:s16] =	ssyncset.done $0x0  }
0x37: {  	[sflag:s16] =	ssyncadd.s32 $0xFFFFFC00  }
0x38: {  	[spmem:s2] =	stream.indirect.scatter.add.f32 [tilespmem:s14], [sflag:$0x3], $0x8, s11, s13, $0xb8;
	[tilespmem:$0xDB80] =	vst v63  }
0x39: {  	_ =	swait.ge [sflag:s17], $0x400  }
0x3a: {  	[sflag:s17] =	ssyncset.done $0x0  }
0x3b: {  	s7 =	rddreg [dreg:$0x6];
	[sflag:s17] =	ssyncadd.s32 $0xFFFFFC00  }
0x3c: {  	[tilespmem:s14], [sflag:$0x1] =	stream.indirect.gather [hbm4b:s4+s13], $0x8, s7, s13, $0xb8;
	[tilespmem:$0xDB80] =	vst v63  }
0x3d: {  	_ =	swait.ge [sflag:s18], $0x400  }
0x3e: {  	[sflag:s18] =	ssyncset.done $0x0  }
0x3f: {  	s8 =	rddreg [dreg:$0x7];
	[sflag:s18] =	ssyncadd.s32 $0xFFFFFC00  }
0x40: {  	[spmem:s2] =	stream.indirect.scatter.add.f32 [tilespmem:s15], [sflag:$0x4], $0x8, s8, s13, $0xb8;
	[tilespmem:$0xDB80] =	vst v63  }
0x41: {  	_ =	swait.ge [sflag:s19], $0x400  }
0x42: {  	[sflag:s19] =	ssyncset.done $0x0  }
0x43: {  	s9 =	rddreg [dreg:$0x8];
	[sflag:s19] =	ssyncadd.s32 $0xFFFFFC00  }
0x44: {  	[tilespmem:s15], [sflag:$0x2] =	stream.indirect.gather [hbm4b:s4+s13], $0x8, s9, s13, $0xb8;
	[tilespmem:$0xDB80] =	vst v63  }
0x45: {  	_ =	swait.ge [sflag:s16], $0x400  }
0x46: {  	[sflag:s16] =	ssyncset.done $0x0  }
0x47: {  	s7 =	rddreg [dreg:$0x9];
	[sflag:s16] =	ssyncadd.s32 $0xFFFFFC00  }
0x48: {  	[spmem:s2] =	stream.indirect.scatter.add.f32 [tilespmem:s14], [sflag:$0x3], $0x8, s7, s13, $0xb8;
	[tilespmem:$0xDB80] =	vst v63  }
0x49: {  	_ =	swait.ge [sflag:s17], $0x400  }
0x4a: {  	[sflag:s17] =	ssyncset.done $0x0  }
0x4b: {  	s8 =	rddreg [dreg:$0xa];
	[sflag:s17] =	ssyncadd.s32 $0xFFFFFC00  }
0x4c: {  	[tilespmem:s14], [sflag:$0x1] =	stream.indirect.gather [hbm4b:s4+s13], $0x8, s8, s13, $0xb8;
	[tilespmem:$0xDB80] =	vst v63  }
0x4d: {  	_ =	swait.ge [sflag:s18], $0x400  }
0x4e: {  	[sflag:s18] =	ssyncset.done $0x0  }
0x4f: {  	s9 =	rddreg [dreg:$0xb];
	[sflag:s18] =	ssyncadd.s32 $0xFFFFFC00  }
0x50: {  	[spmem:s2] =	stream.indirect.scatter.add.f32 [tilespmem:s15], [sflag:$0x4], $0x8, s9, s13, $0xb8;
	[tilespmem:$0xDB80] =	vst v63  }
0x51: {  	_ =	swait.ge [sflag:s19], $0x400  }
0x52: {  	[sflag:s19] =	ssyncset.done $0x0  }
0x53: {  	s7 =	rddreg [dreg:$0xc];
	[sflag:s19] =	ssyncadd.s32 $0xFFFFFC00  }
0x54: {  	[tilespmem:s15], [sflag:$0x2] =	stream.indirect.gather [hbm4b:s4+s13], $0x8, s7, s13, $0xb8;
	[tilespmem:$0xDB80] =	vst v63  }
0x55: {  	_ =	swait.ge [sflag:s16], $0x400  }
0x56: {  	[sflag:s16] =	ssyncset.done $0x0  }
0x57: {  	s8 =	rddreg [dreg:$0xd];
	[sflag:s16] =	ssyncadd.s32 $0xFFFFFC00  }
0x58: {  	[spmem:s2] =	stream.indirect.scatter.add.f32 [tilespmem:s14], [sflag:$0x3], $0x8, s8, s13, $0xb8;
	[tilespmem:$0xDB80] =	vst v63  }
0x59: {  	_ =	swait.ge [sflag:s17], $0x400  }
0x5a: {  	[sflag:s17] =	ssyncset.done $0x0  }
0x5b: {  	s9 =	rddreg [dreg:$0xe];
	[sflag:s17] =	ssyncadd.s32 $0xFFFFFC00  }
0x5c: {  	[tilespmem:s14], [sflag:$0x1] =	stream.indirect.gather [hbm4b:s4+s13], $0x8, s9, s13, $0xb8;
	[tilespmem:$0xDB80] =	vst v63  }
0x5d: {  	_ =	swait.ge [sflag:s18], $0x400  }
0x5e: {  	[sflag:s18] =	ssyncset.done $0x0  }
0x5f: {  	s7 =	rddreg [dreg:$0xf];
	[sflag:s18] =	ssyncadd.s32 $0xFFFFFC00  }
0x60: {  	[spmem:s2] =	stream.indirect.scatter.add.f32 [tilespmem:s15], [sflag:$0x4], $0x8, s7, s13, $0xb8;
	[tilespmem:$0xDB80] =	vst v63  }
0x61: {  	_ =	swait.ge [sflag:s19], $0x400  }
0x62: {  	[sflag:s19] =	ssyncset.done $0x0  }
0x63: {  	s8 =	rddreg [dreg:$0x10];
	[sflag:s19] =	ssyncadd.s32 $0xFFFFFC00  }
0x64: {  	[tilespmem:s15], [sflag:$0x2] =	stream.indirect.gather [hbm4b:s4+s13], $0x8, s8, s13, $0xb8;
	[tilespmem:$0xDB80] =	vst v63  }
0x65: {  	_ =	swait.ge [sflag:s16], $0x400  }
0x66: {  	[sflag:s16] =	ssyncset.done $0x0  }
0x67: {  	s9 =	rddreg [dreg:$0x11];
	[sflag:s16] =	ssyncadd.s32 $0xFFFFFC00  }
0x68: {  	[spmem:s2] =	stream.indirect.scatter.add.f32 [tilespmem:s14], [sflag:$0x3], $0x8, s9, s13, $0xb8;
	[tilespmem:$0xDB80] =	vst v63  }
0x69: {  	_ =	swait.ge [sflag:s17], $0x400  }
0x6a: {  	[sflag:s17] =	ssyncset.done $0x0  }
0x6b: {  	s7 =	rddreg [dreg:$0x12];
	[sflag:s17] =	ssyncadd.s32 $0xFFFFFC00  }
0x6c: {  	[tilespmem:s14], [sflag:$0x1] =	stream.indirect.gather [hbm4b:s4+s13], $0x8, s7, s13, $0xb8;
	[tilespmem:$0xDB80] =	vst v63  }
0x6d: {  	_ =	swait.ge [sflag:s18], $0x400  }
0x6e: {  	[sflag:s18] =	ssyncset.done $0x0  }
0x6f: {  	s8 =	rddreg [dreg:$0x13];
	[sflag:s18] =	ssyncadd.s32 $0xFFFFFC00  }
0x70: {  	[spmem:s2] =	stream.indirect.scatter.add.f32 [tilespmem:s15], [sflag:$0x4], $0x8, s8, s13, $0xb8;
	[tilespmem:$0xDB80] =	vst v63  }
0x71: {  	_ =	swait.ge [sflag:s19], $0x400  }
0x72: {  	[sflag:s19] =	ssyncset.done $0x0  }
0x73: {  	s9 =	rddreg [dreg:$0x14];
	[sflag:s19] =	ssyncadd.s32 $0xFFFFFC00  }
0x74: {  	[tilespmem:s15], [sflag:$0x2] =	stream.indirect.gather [hbm4b:s4+s13], $0x8, s9, s13, $0xb8;
	[tilespmem:$0xDB80] =	vst v63  }
0x75: {  	_ =	swait.ge [sflag:s16], $0x400  }
0x76: {  	[sflag:s16] =	ssyncset.done $0x0  }
0x77: {  	[sflag:s16] =	ssyncadd.s32 $0xFFFFFC00  }
0x78: {  	[spmem:s2] =	stream.indirect.scatter.add.f32 [tilespmem:s14], [sflag:$0x3], $0x8, s20, s13, $0xb8;
	[tilespmem:$0xDB80] =	vst v63  }
0x79: {  	_ =	swait.ge [sflag:s17], $0x400  }
0x7a: {  	[sflag:s17] =	ssyncset.done $0x0  }
0x7b: {  	[sflag:s17] =	ssyncadd.s32 $0xFFFFFC00  }
0x7c: {  	[tilespmem:s14], [sflag:$0x1] =	stream.indirect.gather [hbm4b:s4+s13], $0x8, s21, s13, $0xb8;
	[tilespmem:$0xDB80] =	vst v63  }
0x7d: {  	_ =	swait.ge [sflag:s18], $0x400  }
0x7e: {  	[sflag:s18] =	ssyncset.done $0x0  }
0x7f: {  	[sflag:s18] =	ssyncadd.s32 $0xFFFFFC00  }
0x80: {  	[spmem:s2] =	stream.indirect.scatter.add.f32 [tilespmem:s15], [sflag:$0x4], $0x8, s22, s13, $0xb8;
	[tilespmem:$0xDB80] =	vst v63  }
0x81: {  	_ =	swait.ge [sflag:s19], $0x400  }
0x82: {  	[sflag:s19] =	ssyncset.done $0x0  }
0x83: {  	[sflag:s19] =	ssyncadd.s32 $0xFFFFFC00  }
0x84: {  	[tilespmem:s15], [sflag:$0x2] =	stream.indirect.gather [hbm4b:s4+s13], $0x8, s23, s13, $0xb8;
	[tilespmem:$0xDB80] =	vst v63  }
0x85: {  	_ =	swait.ge [sflag:s16], $0x400  }
0x86: {  	[sflag:s16] =	ssyncset.done $0x0  }
0x87: {  	[sflag:s16] =	ssyncadd.s32 $0xFFFFFC00  }
0x88: {  	[spmem:s2] =	stream.indirect.scatter.add.f32 [tilespmem:s14], [sflag:$0x3], $0x8, s24, s13, $0xb8;
	[tilespmem:$0xDB80] =	vst v63  }
0x89: {  	_ =	swait.ge [sflag:s17], $0x400  }
0x8a: {  	[sflag:s17] =	ssyncset.done $0x0  }
0x8b: {  	[sflag:s17] =	ssyncadd.s32 $0xFFFFFC00  }
0x8c: {  	[tilespmem:s14], [sflag:$0x1] =	stream.indirect.gather [hbm4b:s4+s13], $0x8, s25, s13, $0xb8;
	[tilespmem:$0xDB80] =	vst v63  }
0x8d: {  	_ =	swait.ge [sflag:s18], $0x400  }
0x8e: {  	[sflag:s18] =	ssyncset.done $0x0  }
0x8f: {  	[sflag:s18] =	ssyncadd.s32 $0xFFFFFC00  }
0x90: {  	[spmem:s2] =	stream.indirect.scatter.add.f32 [tilespmem:s15], [sflag:$0x4], $0x8, s26, s13, $0xb8;
	[tilespmem:$0xDB80] =	vst v63  }
0x91: {  	_ =	swait.ge [sflag:s19], $0x400  }
0x92: {  	[sflag:s19] =	ssyncset.done $0x0  }
0x93: {  	[sflag:s19] =	ssyncadd.s32 $0xFFFFFC00  }
0x94: {  	[tilespmem:s15], [sflag:$0x2] =	stream.indirect.gather [hbm4b:s4+s13], $0x8, s28, s13, $0xb8;
	[tilespmem:$0xDB80] =	vst v63  }
0x95: {  	_ =	swait.ge [sflag:s16], $0x400  }
0x96: {  	[sflag:s16] =	ssyncset.done $0x0  }
0x97: {  	[sflag:s16] =	ssyncadd.s32 $0xFFFFFC00  }
0x98: {  	[spmem:s2] =	stream.indirect.scatter.add.f32 [tilespmem:s14], [sflag:$0x3], $0x8, s29, s13, $0xb8;
	[tilespmem:$0xDB80] =	vst v63  }
0x99: {  	_ =	swait.ge [sflag:s17], $0x400  }
0x9a: {  	[sflag:s17] =	ssyncset.done $0x0  }
0x9b: {  	[sflag:s17] =	ssyncadd.s32 $0xFFFFFC00  }
0x9c: {  	[tilespmem:s14], [sflag:$0x1] =	stream.indirect.gather [hbm4b:s4+s13], $0x8, s30, s13, $0xb8;
	[tilespmem:$0xDB80] =	vst v63  }
0x9d: {  	_ =	swait.ge [sflag:s18], $0x400  }
0x9e: {  	[sflag:s18] =	ssyncset.done $0x0  }
0x9f: {  	[sflag:s18] =	ssyncadd.s32 $0xFFFFFC00  }
0xa0: {  	[spmem:s2] =	stream.indirect.scatter.add.f32 [tilespmem:s15], [sflag:$0x4], $0x8, s31, s13, $0xb8;
	[tilespmem:$0xDB80] =	vst v63  }
0xa1: {  	_ =	swait.ge [sflag:s19], $0x400  }
0xa2: {  	[sflag:s19] =	ssyncset.done $0x0  }
0xa3: {  	[sflag:s19] =	ssyncadd.s32 $0xFFFFFC00  }
0xa4: {  	[tilespmem:s15], [sflag:$0x2] =	stream.indirect.gather [hbm4b:s4+s13], $0x8, s1, s13, $0xb8;
	[tilespmem:$0xDB80] =	vst v63  }
0xa5: {  	_ =	swait.ge [sflag:s16], $0x400  }
0xa6: {  	[sflag:s16] =	ssyncset.done $0x0  }
0xa7: {  	[sflag:s16] =	ssyncadd.s32 $0xFFFFFC00  }
0xa8: {  	[spmem:s2] =	stream.indirect.scatter.add.f32 [tilespmem:s14], [sflag:$0x3], $0x8, s0, s13, $0xb8;
	[tilespmem:$0xDB80] =	vst v63  }
0xa9: {  	_ =	swait.ge [sflag:s18], $0x400  }
0xaa: {  	[sflag:s18] =	ssyncset.done $0x0  }
0xab: {  	[sflag:s18] =	ssyncadd.s32 $0xFFFFFC00  }
0xac: {  	[spmem:s2] =	stream.indirect.scatter.add.f32 [tilespmem:s15], [sflag:$0x4], $0x8, s5, s13, $0xb8;
	[tilespmem:$0xDB80] =	vst v63  }
0xad: {  	_ =	swait.ge [sflag:s17], $0x400  }
0xae: {  	[sflag:s17] =	ssyncset.done $0x0  }
0xaf: {  	[sflag:s17] =	ssyncadd.s32 $0xFFFFFC00  }
0xb0: {  	s6 =	simm.s32 $0x200;
	_ =	swait.ge [sflag:s19], $0x400  }
0xb1: {  	s8 =	simm.s32 $0x100;
	s9 =	rddreg [dreg:$0x4];
	[sflag:s19] =	ssyncset.done $0x0  }
.LBB2_2:
0xb2: {  	[sflag:s19] =	ssyncadd.s32 $0xFFFFFC00;
	s9 =	sadd.s32 s8, s9  }
0xb3: {  	[tilespmem:s11], [sflag:$0x5] =	stream.linear.gather [hbm4b:s9+s3], $0x800, $0x38;
	[tilespmem:$0xDB80] =	vst v63  }
0xb4: {  	_ =	swait.ge [sflag:s10], $0x800  }
0xb5: {  	s9 =	rddreg [dreg:$0x3];
	[sflag:s10] =	ssyncset.done $0x0  }
0xb6: {  	[sflag:s10] =	ssyncadd.s32 $0xFFFFF800;
	s9 =	sadd.s32 s8, s9  }
0xb7: {  	[tilespmem:s12], [sflag:$0x5] =	stream.linear.gather [hbm4b:s9+s3], $0x800, $0x38;
	[tilespmem:$0xDB80] =	vst v63  }
0xb8: {  	_ =	swait.ge [sflag:s10], $0x800  }
0xb9: {  	[sflag:s10] =	ssyncset.done $0x0  }
0xba: {  	[sflag:s10] =	ssyncadd.s32 $0xFFFFF800  }
0xbb: {  	[tilespmem:s14], [sflag:$0x1] =	stream.indirect.gather [hbm4b:s4+s13], $0x8, s12, s13, $0xb8;
	[tilespmem:$0xDB80] =	vst v63  }
0xbc: {  	s9 =	rddreg [dreg:$0x5]  }
0xbd: {  	[tilespmem:s15], [sflag:$0x2] =	stream.indirect.gather [hbm4b:s4+s13], $0x8, s9, s13, $0xb8;
	[tilespmem:$0xDB80] =	vst v63  }
0xbe: {  	_ =	swait.ge [sflag:s16], $0x400  }
0xbf: {  	[sflag:s16] =	ssyncset.done $0x0  }
0xc0: {  	[sflag:s16] =	ssyncadd.s32 $0xFFFFFC00  }
0xc1: {  	[spmem:s2] =	stream.indirect.scatter.add.f32 [tilespmem:s14], [sflag:$0x3], $0x8, s11, s13, $0xb8;
	[tilespmem:$0xDB80] =	vst v63  }
0xc2: {  	_ =	swait.ge [sflag:s17], $0x400  }
0xc3: {  	[sflag:s17] =	ssyncset.done $0x0  }
0xc4: {  	s9 =	rddreg [dreg:$0x6];
	[sflag:s17] =	ssyncadd.s32 $0xFFFFFC00  }
0xc5: {  	[tilespmem:s14], [sflag:$0x1] =	stream.indirect.gather [hbm4b:s4+s13], $0x8, s9, s13, $0xb8;
	[tilespmem:$0xDB80] =	vst v63  }
0xc6: {  	_ =	swait.ge [sflag:s18], $0x400  }
0xc7: {  	[sflag:s18] =	ssyncset.done $0x0  }
0xc8: {  	s9 =	rddreg [dreg:$0x7];
	[sflag:s18] =	ssyncadd.s32 $0xFFFFFC00  }
0xc9: {  	[spmem:s2] =	stream.indirect.scatter.add.f32 [tilespmem:s15], [sflag:$0x4], $0x8, s9, s13, $0xb8;
	[tilespmem:$0xDB80] =	vst v63  }
0xca: {  	_ =	swait.ge [sflag:s19], $0x400  }
0xcb: {  	[sflag:s19] =	ssyncset.done $0x0  }
0xcc: {  	s9 =	rddreg [dreg:$0x8];
	[sflag:s19] =	ssyncadd.s32 $0xFFFFFC00  }
0xcd: {  	[tilespmem:s15], [sflag:$0x2] =	stream.indirect.gather [hbm4b:s4+s13], $0x8, s9, s13, $0xb8;
	[tilespmem:$0xDB80] =	vst v63  }
0xce: {  	_ =	swait.ge [sflag:s16], $0x400  }
0xcf: {  	[sflag:s16] =	ssyncset.done $0x0  }
0xd0: {  	s9 =	rddreg [dreg:$0x9];
	[sflag:s16] =	ssyncadd.s32 $0xFFFFFC00  }
0xd1: {  	[spmem:s2] =	stream.indirect.scatter.add.f32 [tilespmem:s14], [sflag:$0x3], $0x8, s9, s13, $0xb8;
	[tilespmem:$0xDB80] =	vst v63  }
0xd2: {  	_ =	swait.ge [sflag:s17], $0x400  }
0xd3: {  	[sflag:s17] =	ssyncset.done $0x0  }
0xd4: {  	s9 =	rddreg [dreg:$0xa];
	[sflag:s17] =	ssyncadd.s32 $0xFFFFFC00  }
0xd5: {  	[tilespmem:s14], [sflag:$0x1] =	stream.indirect.gather [hbm4b:s4+s13], $0x8, s9, s13, $0xb8;
	[tilespmem:$0xDB80] =	vst v63  }
0xd6: {  	_ =	swait.ge [sflag:s18], $0x400  }
0xd7: {  	[sflag:s18] =	ssyncset.done $0x0  }
0xd8: {  	s9 =	rddreg [dreg:$0xb];
	[sflag:s18] =	ssyncadd.s32 $0xFFFFFC00  }
0xd9: {  	[spmem:s2] =	stream.indirect.scatter.add.f32 [tilespmem:s15], [sflag:$0x4], $0x8, s9, s13, $0xb8;
	[tilespmem:$0xDB80] =	vst v63  }
0xda: {  	_ =	swait.ge [sflag:s19], $0x400  }
0xdb: {  	[sflag:s19] =	ssyncset.done $0x0  }
0xdc: {  	s9 =	rddreg [dreg:$0xc];
	[sflag:s19] =	ssyncadd.s32 $0xFFFFFC00  }
0xdd: {  	[tilespmem:s15], [sflag:$0x2] =	stream.indirect.gather [hbm4b:s4+s13], $0x8, s9, s13, $0xb8;
	[tilespmem:$0xDB80] =	vst v63  }
0xde: {  	_ =	swait.ge [sflag:s16], $0x400  }
0xdf: {  	[sflag:s16] =	ssyncset.done $0x0  }
0xe0: {  	s9 =	rddreg [dreg:$0xd];
	[sflag:s16] =	ssyncadd.s32 $0xFFFFFC00  }
0xe1: {  	[spmem:s2] =	stream.indirect.scatter.add.f32 [tilespmem:s14], [sflag:$0x3], $0x8, s9, s13, $0xb8;
	[tilespmem:$0xDB80] =	vst v63  }
0xe2: {  	_ =	swait.ge [sflag:s17], $0x400  }
0xe3: {  	[sflag:s17] =	ssyncset.done $0x0  }
0xe4: {  	s9 =	rddreg [dreg:$0xe];
	[sflag:s17] =	ssyncadd.s32 $0xFFFFFC00  }
0xe5: {  	[tilespmem:s14], [sflag:$0x1] =	stream.indirect.gather [hbm4b:s4+s13], $0x8, s9, s13, $0xb8;
	[tilespmem:$0xDB80] =	vst v63  }
0xe6: {  	_ =	swait.ge [sflag:s18], $0x400  }
0xe7: {  	[sflag:s18] =	ssyncset.done $0x0  }
0xe8: {  	s9 =	rddreg [dreg:$0xf];
	[sflag:s18] =	ssyncadd.s32 $0xFFFFFC00  }
0xe9: {  	[spmem:s2] =	stream.indirect.scatter.add.f32 [tilespmem:s15], [sflag:$0x4], $0x8, s9, s13, $0xb8;
	[tilespmem:$0xDB80] =	vst v63  }
0xea: {  	_ =	swait.ge [sflag:s19], $0x400  }
0xeb: {  	[sflag:s19] =	ssyncset.done $0x0  }
0xec: {  	s9 =	rddreg [dreg:$0x10];
	[sflag:s19] =	ssyncadd.s32 $0xFFFFFC00  }
0xed: {  	[tilespmem:s15], [sflag:$0x2] =	stream.indirect.gather [hbm4b:s4+s13], $0x8, s9, s13, $0xb8;
	[tilespmem:$0xDB80] =	vst v63  }
0xee: {  	_ =	swait.ge [sflag:s16], $0x400  }
0xef: {  	[sflag:s16] =	ssyncset.done $0x0  }
0xf0: {  	s9 =	rddreg [dreg:$0x11];
	[sflag:s16] =	ssyncadd.s32 $0xFFFFFC00  }
0xf1: {  	[spmem:s2] =	stream.indirect.scatter.add.f32 [tilespmem:s14], [sflag:$0x3], $0x8, s9, s13, $0xb8;
	[tilespmem:$0xDB80] =	vst v63  }
0xf2: {  	_ =	swait.ge [sflag:s17], $0x400  }
0xf3: {  	[sflag:s17] =	ssyncset.done $0x0  }
0xf4: {  	s9 =	rddreg [dreg:$0x12];
	[sflag:s17] =	ssyncadd.s32 $0xFFFFFC00  }
0xf5: {  	[tilespmem:s14], [sflag:$0x1] =	stream.indirect.gather [hbm4b:s4+s13], $0x8, s9, s13, $0xb8;
	[tilespmem:$0xDB80] =	vst v63  }
0xf6: {  	_ =	swait.ge [sflag:s18], $0x400  }
0xf7: {  	[sflag:s18] =	ssyncset.done $0x0  }
0xf8: {  	s9 =	rddreg [dreg:$0x13];
	[sflag:s18] =	ssyncadd.s32 $0xFFFFFC00  }
0xf9: {  	[spmem:s2] =	stream.indirect.scatter.add.f32 [tilespmem:s15], [sflag:$0x4], $0x8, s9, s13, $0xb8;
	[tilespmem:$0xDB80] =	vst v63  }
0xfa: {  	_ =	swait.ge [sflag:s19], $0x400  }
0xfb: {  	[sflag:s19] =	ssyncset.done $0x0  }
0xfc: {  	s9 =	rddreg [dreg:$0x14];
	[sflag:s19] =	ssyncadd.s32 $0xFFFFFC00  }
0xfd: {  	[tilespmem:s15], [sflag:$0x2] =	stream.indirect.gather [hbm4b:s4+s13], $0x8, s9, s13, $0xb8;
	[tilespmem:$0xDB80] =	vst v63  }
0xfe: {  	_ =	swait.ge [sflag:s16], $0x400  }
0xff: {  	[sflag:s16] =	ssyncset.done $0x0  }
0x100: {  	[sflag:s16] =	ssyncadd.s32 $0xFFFFFC00  }
0x101: {  	[spmem:s2] =	stream.indirect.scatter.add.f32 [tilespmem:s14], [sflag:$0x3], $0x8, s20, s13, $0xb8;
	[tilespmem:$0xDB80] =	vst v63  }
0x102: {  	_ =	swait.ge [sflag:s17], $0x400  }
0x103: {  	[sflag:s17] =	ssyncset.done $0x0  }
0x104: {  	[sflag:s17] =	ssyncadd.s32 $0xFFFFFC00  }
0x105: {  	[tilespmem:s14], [sflag:$0x1] =	stream.indirect.gather [hbm4b:s4+s13], $0x8, s21, s13, $0xb8;
	[tilespmem:$0xDB80] =	vst v63  }
0x106: {  	_ =	swait.ge [sflag:s18], $0x400  }
0x107: {  	[sflag:s18] =	ssyncset.done $0x0  }
0x108: {  	[sflag:s18] =	ssyncadd.s32 $0xFFFFFC00  }
0x109: {  	[spmem:s2] =	stream.indirect.scatter.add.f32 [tilespmem:s15], [sflag:$0x4], $0x8, s22, s13, $0xb8;
	[tilespmem:$0xDB80] =	vst v63  }
0x10a: {  	_ =	swait.ge [sflag:s19], $0x400  }
0x10b: {  	[sflag:s19] =	ssyncset.done $0x0  }
0x10c: {  	[sflag:s19] =	ssyncadd.s32 $0xFFFFFC00  }
0x10d: {  	[tilespmem:s15], [sflag:$0x2] =	stream.indirect.gather [hbm4b:s4+s13], $0x8, s23, s13, $0xb8;
	[tilespmem:$0xDB80] =	vst v63  }
0x10e: {  	_ =	swait.ge [sflag:s16], $0x400  }
0x10f: {  	[sflag:s16] =	ssyncset.done $0x0  }
0x110: {  	[sflag:s16] =	ssyncadd.s32 $0xFFFFFC00  }
0x111: {  	[spmem:s2] =	stream.indirect.scatter.add.f32 [tilespmem:s14], [sflag:$0x3], $0x8, s24, s13, $0xb8;
	[tilespmem:$0xDB80] =	vst v63  }
0x112: {  	_ =	swait.ge [sflag:s17], $0x400  }
0x113: {  	[sflag:s17] =	ssyncset.done $0x0  }
0x114: {  	[sflag:s17] =	ssyncadd.s32 $0xFFFFFC00  }
0x115: {  	[tilespmem:s14], [sflag:$0x1] =	stream.indirect.gather [hbm4b:s4+s13], $0x8, s25, s13, $0xb8;
	[tilespmem:$0xDB80] =	vst v63  }
0x116: {  	_ =	swait.ge [sflag:s18], $0x400  }
0x117: {  	[sflag:s18] =	ssyncset.done $0x0  }
0x118: {  	[sflag:s18] =	ssyncadd.s32 $0xFFFFFC00  }
0x119: {  	[spmem:s2] =	stream.indirect.scatter.add.f32 [tilespmem:s15], [sflag:$0x4], $0x8, s26, s13, $0xb8;
	[tilespmem:$0xDB80] =	vst v63  }
0x11a: {  	_ =	swait.ge [sflag:s19], $0x400  }
0x11b: {  	[sflag:s19] =	ssyncset.done $0x0  }
0x11c: {  	[sflag:s19] =	ssyncadd.s32 $0xFFFFFC00  }
0x11d: {  	[tilespmem:s15], [sflag:$0x2] =	stream.indirect.gather [hbm4b:s4+s13], $0x8, s28, s13, $0xb8;
	[tilespmem:$0xDB80] =	vst v63  }
0x11e: {  	_ =	swait.ge [sflag:s16], $0x400  }
0x11f: {  	[sflag:s16] =	ssyncset.done $0x0  }
0x120: {  	[sflag:s16] =	ssyncadd.s32 $0xFFFFFC00  }
0x121: {  	[spmem:s2] =	stream.indirect.scatter.add.f32 [tilespmem:s14], [sflag:$0x3], $0x8, s29, s13, $0xb8;
	[tilespmem:$0xDB80] =	vst v63  }
0x122: {  	_ =	swait.ge [sflag:s17], $0x400  }
0x123: {  	[sflag:s17] =	ssyncset.done $0x0  }
0x124: {  	[sflag:s17] =	ssyncadd.s32 $0xFFFFFC00  }
0x125: {  	[tilespmem:s14], [sflag:$0x1] =	stream.indirect.gather [hbm4b:s4+s13], $0x8, s30, s13, $0xb8;
	[tilespmem:$0xDB80] =	vst v63  }
0x126: {  	_ =	swait.ge [sflag:s18], $0x400  }
0x127: {  	[sflag:s18] =	ssyncset.done $0x0  }
0x128: {  	[sflag:s18] =	ssyncadd.s32 $0xFFFFFC00  }
0x129: {  	[spmem:s2] =	stream.indirect.scatter.add.f32 [tilespmem:s15], [sflag:$0x4], $0x8, s31, s13, $0xb8;
	[tilespmem:$0xDB80] =	vst v63  }
0x12a: {  	_ =	swait.ge [sflag:s19], $0x400  }
0x12b: {  	[sflag:s19] =	ssyncset.done $0x0  }
0x12c: {  	[sflag:s19] =	ssyncadd.s32 $0xFFFFFC00  }
0x12d: {  	[tilespmem:s15], [sflag:$0x2] =	stream.indirect.gather [hbm4b:s4+s13], $0x8, s1, s13, $0xb8;
	[tilespmem:$0xDB80] =	vst v63  }
0x12e: {  	_ =	swait.ge [sflag:s16], $0x400  }
0x12f: {  	[sflag:s16] =	ssyncset.done $0x0  }
0x130: {  	[sflag:s16] =	ssyncadd.s32 $0xFFFFFC00  }
0x131: {  	[spmem:s2] =	stream.indirect.scatter.add.f32 [tilespmem:s14], [sflag:$0x3], $0x8, s0, s13, $0xb8;
	[tilespmem:$0xDB80] =	vst v63  }
0x132: {  	_ =	swait.ge [sflag:s18], $0x400  }
0x133: {  	[sflag:s18] =	ssyncset.done $0x0  }
0x134: {  	p0 =	sne.s32 s6, $0x2400;
	[sflag:s18] =	ssyncadd.s32 $0xFFFFFC00  }
0x135: {  	[spmem:s2] =	stream.indirect.scatter.add.f32 [tilespmem:s15], [sflag:$0x4], $0x8, s5, s13, $0xb8;
	[tilespmem:$0xDB80] =	vst v63  }
.Ltmp0:
0x136: {  	_ =	swait.ge [sflag:s17], $0x400;
	(pc) =	sbr.rel @p0 .LBB2_2-.Ltmp0, $4  }
0x137: {  	[sflag:s17] =	ssyncset.done $0x0  }
0x138: {  	[sflag:s17] =	ssyncadd.s32 $0xFFFFFC00  }
0x139: {  	s7 =	smov.u32 s6;
	s6 =	sadd.s32 $0x100, s6;
	_ =	swait.ge [sflag:s19], $0x400  }
0x13a: {  	s8 =	smov.u32 s7;
	s9 =	rddreg [dreg:$0x4];
	[sflag:s19] =	ssyncset.done $0x0  }
0x13b: {  	[sflag:s19] =	ssyncadd.s32 $0xFFFFFC00;
	s6 =	sadd.s32 s8, s9  }
0x13c: {  	[tilespmem:s11], [sflag:$0x5] =	stream.linear.gather [hbm4b:s6+s3], $0x800, $0x38;
	[tilespmem:$0xDB80] =	vst v63  }
0x13d: {  	_ =	swait.ge [sflag:s10], $0x800  }
0x13e: {  	s7 =	rddreg [dreg:$0x3];
	[sflag:s10] =	ssyncset.done $0x0  }
0x13f: {  	s6 =	sadd.s32 s8, s7;
	[sflag:s10] =	ssyncadd.s32 $0xFFFFF800  }
0x140: {  	[tilespmem:s12], [sflag:$0x5] =	stream.linear.gather [hbm4b:s6+s3], $0x800, $0x38;
	[tilespmem:$0xDB80] =	vst v63  }
0x141: {  	_ =	swait.ge [sflag:s10], $0x800  }
0x142: {  	[sflag:s10] =	ssyncset.done $0x0  }
0x143: {  	[sflag:s10] =	ssyncadd.s32 $0xFFFFF800  }
0x144: {  	[tilespmem:s14], [sflag:$0x1] =	stream.indirect.gather [hbm4b:s4+s13], $0x8, s12, s13, $0xb8;
	[tilespmem:$0xDB80] =	vst v63  }
0x145: {  	s8 =	rddreg [dreg:$0x5]  }
0x146: {  	[tilespmem:s15], [sflag:$0x2] =	stream.indirect.gather [hbm4b:s4+s13], $0x8, s8, s13, $0xb8;
	[tilespmem:$0xDB80] =	vst v63  }
0x147: {  	_ =	swait.ge [sflag:s16], $0x400  }
0x148: {  	[sflag:s16] =	ssyncset.done $0x0  }
0x149: {  	[sflag:s16] =	ssyncadd.s32 $0xFFFFFC00  }
0x14a: {  	[spmem:s2] =	stream.indirect.scatter.add.f32 [tilespmem:s14], [sflag:$0x3], $0x8, s11, s13, $0xb8;
	[tilespmem:$0xDB80] =	vst v63  }
0x14b: {  	_ =	swait.ge [sflag:s17], $0x400  }
0x14c: {  	[sflag:s17] =	ssyncset.done $0x0  }
0x14d: {  	s9 =	rddreg [dreg:$0x6];
	[sflag:s17] =	ssyncadd.s32 $0xFFFFFC00  }
0x14e: {  	[tilespmem:s14], [sflag:$0x1] =	stream.indirect.gather [hbm4b:s4+s13], $0x8, s9, s13, $0xb8;
	[tilespmem:$0xDB80] =	vst v63  }
0x14f: {  	_ =	swait.ge [sflag:s18], $0x400  }
0x150: {  	[sflag:s18] =	ssyncset.done $0x0  }
0x151: {  	s7 =	rddreg [dreg:$0x7];
	[sflag:s18] =	ssyncadd.s32 $0xFFFFFC00  }
0x152: {  	[spmem:s2] =	stream.indirect.scatter.add.f32 [tilespmem:s15], [sflag:$0x4], $0x8, s7, s13, $0xb8;
	[tilespmem:$0xDB80] =	vst v63  }
0x153: {  	_ =	swait.ge [sflag:s19], $0x400  }
0x154: {  	[sflag:s19] =	ssyncset.done $0x0  }
0x155: {  	s8 =	rddreg [dreg:$0x8];
	[sflag:s19] =	ssyncadd.s32 $0xFFFFFC00  }
0x156: {  	[tilespmem:s15], [sflag:$0x2] =	stream.indirect.gather [hbm4b:s4+s13], $0x8, s8, s13, $0xb8;
	[tilespmem:$0xDB80] =	vst v63  }
0x157: {  	_ =	swait.ge [sflag:s16], $0x400  }
0x158: {  	[sflag:s16] =	ssyncset.done $0x0  }
0x159: {  	s9 =	rddreg [dreg:$0x9];
	[sflag:s16] =	ssyncadd.s32 $0xFFFFFC00  }
0x15a: {  	[spmem:s2] =	stream.indirect.scatter.add.f32 [tilespmem:s14], [sflag:$0x3], $0x8, s9, s13, $0xb8;
	[tilespmem:$0xDB80] =	vst v63  }
0x15b: {  	_ =	swait.ge [sflag:s17], $0x400  }
0x15c: {  	[sflag:s17] =	ssyncset.done $0x0  }
0x15d: {  	s7 =	rddreg [dreg:$0xa];
	[sflag:s17] =	ssyncadd.s32 $0xFFFFFC00  }
0x15e: {  	[tilespmem:s14], [sflag:$0x1] =	stream.indirect.gather [hbm4b:s4+s13], $0x8, s7, s13, $0xb8;
	[tilespmem:$0xDB80] =	vst v63  }
0x15f: {  	_ =	swait.ge [sflag:s18], $0x400  }
0x160: {  	[sflag:s18] =	ssyncset.done $0x0  }
0x161: {  	s8 =	rddreg [dreg:$0xb];
	[sflag:s18] =	ssyncadd.s32 $0xFFFFFC00  }
0x162: {  	[spmem:s2] =	stream.indirect.scatter.add.f32 [tilespmem:s15], [sflag:$0x4], $0x8, s8, s13, $0xb8;
	[tilespmem:$0xDB80] =	vst v63  }
0x163: {  	_ =	swait.ge [sflag:s19], $0x400  }
0x164: {  	[sflag:s19] =	ssyncset.done $0x0  }
0x165: {  	s9 =	rddreg [dreg:$0xc];
	[sflag:s19] =	ssyncadd.s32 $0xFFFFFC00  }
0x166: {  	[tilespmem:s15], [sflag:$0x2] =	stream.indirect.gather [hbm4b:s4+s13], $0x8, s9, s13, $0xb8;
	[tilespmem:$0xDB80] =	vst v63  }
0x167: {  	_ =	swait.ge [sflag:s16], $0x400  }
0x168: {  	[sflag:s16] =	ssyncset.done $0x0  }
0x169: {  	s7 =	rddreg [dreg:$0xd];
	[sflag:s16] =	ssyncadd.s32 $0xFFFFFC00  }
0x16a: {  	[spmem:s2] =	stream.indirect.scatter.add.f32 [tilespmem:s14], [sflag:$0x3], $0x8, s7, s13, $0xb8;
	[tilespmem:$0xDB80] =	vst v63  }
0x16b: {  	_ =	swait.ge [sflag:s17], $0x400  }
0x16c: {  	[sflag:s17] =	ssyncset.done $0x0  }
0x16d: {  	s8 =	rddreg [dreg:$0xe];
	[sflag:s17] =	ssyncadd.s32 $0xFFFFFC00  }
0x16e: {  	[tilespmem:s14], [sflag:$0x1] =	stream.indirect.gather [hbm4b:s4+s13], $0x8, s8, s13, $0xb8;
	[tilespmem:$0xDB80] =	vst v63  }
0x16f: {  	_ =	swait.ge [sflag:s18], $0x400  }
0x170: {  	[sflag:s18] =	ssyncset.done $0x0  }
0x171: {  	s9 =	rddreg [dreg:$0xf];
	[sflag:s18] =	ssyncadd.s32 $0xFFFFFC00  }
0x172: {  	[spmem:s2] =	stream.indirect.scatter.add.f32 [tilespmem:s15], [sflag:$0x4], $0x8, s9, s13, $0xb8;
	[tilespmem:$0xDB80] =	vst v63  }
0x173: {  	_ =	swait.ge [sflag:s19], $0x400  }
0x174: {  	[sflag:s19] =	ssyncset.done $0x0  }
0x175: {  	s7 =	rddreg [dreg:$0x10];
	[sflag:s19] =	ssyncadd.s32 $0xFFFFFC00  }
0x176: {  	[tilespmem:s15], [sflag:$0x2] =	stream.indirect.gather [hbm4b:s4+s13], $0x8, s7, s13, $0xb8;
	[tilespmem:$0xDB80] =	vst v63  }
0x177: {  	_ =	swait.ge [sflag:s16], $0x400  }
0x178: {  	[sflag:s16] =	ssyncset.done $0x0  }
0x179: {  	s8 =	rddreg [dreg:$0x11];
	[sflag:s16] =	ssyncadd.s32 $0xFFFFFC00  }
0x17a: {  	[spmem:s2] =	stream.indirect.scatter.add.f32 [tilespmem:s14], [sflag:$0x3], $0x8, s8, s13, $0xb8;
	[tilespmem:$0xDB80] =	vst v63  }
0x17b: {  	_ =	swait.ge [sflag:s17], $0x400  }
0x17c: {  	[sflag:s17] =	ssyncset.done $0x0  }
0x17d: {  	s9 =	rddreg [dreg:$0x12];
	[sflag:s17] =	ssyncadd.s32 $0xFFFFFC00  }
0x17e: {  	[tilespmem:s14], [sflag:$0x1] =	stream.indirect.gather [hbm4b:s4+s13], $0x8, s9, s13, $0xb8;
	[tilespmem:$0xDB80] =	vst v63  }
0x17f: {  	_ =	swait.ge [sflag:s18], $0x400  }
0x180: {  	[sflag:s18] =	ssyncset.done $0x0  }
0x181: {  	s7 =	rddreg [dreg:$0x13];
	[sflag:s18] =	ssyncadd.s32 $0xFFFFFC00  }
0x182: {  	[spmem:s2] =	stream.indirect.scatter.add.f32 [tilespmem:s15], [sflag:$0x4], $0x8, s7, s13, $0xb8;
	[tilespmem:$0xDB80] =	vst v63  }
0x183: {  	_ =	swait.ge [sflag:s19], $0x400  }
0x184: {  	[sflag:s19] =	ssyncset.done $0x0  }
0x185: {  	s8 =	rddreg [dreg:$0x14];
	[sflag:s19] =	ssyncadd.s32 $0xFFFFFC00  }
0x186: {  	[tilespmem:s15], [sflag:$0x2] =	stream.indirect.gather [hbm4b:s4+s13], $0x8, s8, s13, $0xb8;
	[tilespmem:$0xDB80] =	vst v63  }
0x187: {  	_ =	swait.ge [sflag:s16], $0x400  }
0x188: {  	[sflag:s16] =	ssyncset.done $0x0  }
0x189: {  	[sflag:s16] =	ssyncadd.s32 $0xFFFFFC00  }
0x18a: {  	[spmem:s2] =	stream.indirect.scatter.add.f32 [tilespmem:s14], [sflag:$0x3], $0x8, s20, s13, $0xb8;
	[tilespmem:$0xDB80] =	vst v63  }
0x18b: {  	_ =	swait.ge [sflag:s17], $0x400  }
0x18c: {  	[sflag:s17] =	ssyncset.done $0x0  }
0x18d: {  	[sflag:s17] =	ssyncadd.s32 $0xFFFFFC00  }
0x18e: {  	[tilespmem:s14], [sflag:$0x1] =	stream.indirect.gather [hbm4b:s4+s13], $0x8, s21, s13, $0xb8;
	[tilespmem:$0xDB80] =	vst v63  }
0x18f: {  	_ =	swait.ge [sflag:s18], $0x400  }
0x190: {  	[sflag:s18] =	ssyncset.done $0x0  }
0x191: {  	[sflag:s18] =	ssyncadd.s32 $0xFFFFFC00  }
0x192: {  	[spmem:s2] =	stream.indirect.scatter.add.f32 [tilespmem:s15], [sflag:$0x4], $0x8, s22, s13, $0xb8;
	[tilespmem:$0xDB80] =	vst v63  }
0x193: {  	_ =	swait.ge [sflag:s19], $0x400  }
0x194: {  	[sflag:s19] =	ssyncset.done $0x0  }
0x195: {  	[sflag:s19] =	ssyncadd.s32 $0xFFFFFC00  }
0x196: {  	[tilespmem:s15], [sflag:$0x2] =	stream.indirect.gather [hbm4b:s4+s13], $0x8, s23, s13, $0xb8;
	[tilespmem:$0xDB80] =	vst v63  }
0x197: {  	_ =	swait.ge [sflag:s16], $0x400  }
0x198: {  	[sflag:s16] =	ssyncset.done $0x0  }
0x199: {  	[sflag:s16] =	ssyncadd.s32 $0xFFFFFC00  }
0x19a: {  	[spmem:s2] =	stream.indirect.scatter.add.f32 [tilespmem:s14], [sflag:$0x3], $0x8, s24, s13, $0xb8;
	[tilespmem:$0xDB80] =	vst v63  }
0x19b: {  	_ =	swait.ge [sflag:s17], $0x400  }
0x19c: {  	[sflag:s17] =	ssyncset.done $0x0  }
0x19d: {  	[sflag:s17] =	ssyncadd.s32 $0xFFFFFC00  }
0x19e: {  	[tilespmem:s14], [sflag:$0x1] =	stream.indirect.gather [hbm4b:s4+s13], $0x8, s25, s13, $0xb8;
	[tilespmem:$0xDB80] =	vst v63  }
0x19f: {  	_ =	swait.ge [sflag:s18], $0x400  }
0x1a0: {  	[sflag:s18] =	ssyncset.done $0x0  }
0x1a1: {  	[sflag:s18] =	ssyncadd.s32 $0xFFFFFC00  }
0x1a2: {  	[spmem:s2] =	stream.indirect.scatter.add.f32 [tilespmem:s15], [sflag:$0x4], $0x8, s26, s13, $0xb8;
	[tilespmem:$0xDB80] =	vst v63  }
0x1a3: {  	_ =	swait.ge [sflag:s19], $0x400  }
0x1a4: {  	[sflag:s19] =	ssyncset.done $0x0  }
0x1a5: {  	[sflag:s19] =	ssyncadd.s32 $0xFFFFFC00  }
0x1a6: {  	[tilespmem:s15], [sflag:$0x2] =	stream.indirect.gather [hbm4b:s4+s13], $0x8, s28, s13, $0xb8;
	[tilespmem:$0xDB80] =	vst v63  }
0x1a7: {  	_ =	swait.ge [sflag:s16], $0x400  }
0x1a8: {  	[sflag:s16] =	ssyncset.done $0x0  }
0x1a9: {  	[sflag:s16] =	ssyncadd.s32 $0xFFFFFC00  }
0x1aa: {  	[spmem:s2] =	stream.indirect.scatter.add.f32 [tilespmem:s14], [sflag:$0x3], $0x8, s29, s13, $0xb8;
	[tilespmem:$0xDB80] =	vst v63  }
0x1ab: {  	_ =	swait.ge [sflag:s17], $0x400  }
0x1ac: {  	[sflag:s17] =	ssyncset.done $0x0  }
0x1ad: {  	[sflag:s17] =	ssyncadd.s32 $0xFFFFFC00  }
0x1ae: {  	[tilespmem:s14], [sflag:$0x1] =	stream.indirect.gather [hbm4b:s4+s13], $0x8, s30, s13, $0xb8;
	[tilespmem:$0xDB80] =	vst v63  }
0x1af: {  	_ =	swait.ge [sflag:s18], $0x400  }
0x1b0: {  	[sflag:s18] =	ssyncset.done $0x0  }
0x1b1: {  	[sflag:s18] =	ssyncadd.s32 $0xFFFFFC00  }
0x1b2: {  	[spmem:s2] =	stream.indirect.scatter.add.f32 [tilespmem:s15], [sflag:$0x4], $0x8, s31, s13, $0xb8;
	[tilespmem:$0xDB80] =	vst v63  }
0x1b3: {  	_ =	swait.ge [sflag:s19], $0x400  }
0x1b4: {  	[sflag:s19] =	ssyncset.done $0x0  }
0x1b5: {  	[sflag:s19] =	ssyncadd.s32 $0xFFFFFC00  }
0x1b6: {  	[tilespmem:s15], [sflag:$0x2] =	stream.indirect.gather [hbm4b:s4+s13], $0x8, s1, s13, $0xb8;
	[tilespmem:$0xDB80] =	vst v63  }
0x1b7: {  	_ =	swait.ge [sflag:s16], $0x400  }
0x1b8: {  	[sflag:s16] =	ssyncset.done $0x0  }
0x1b9: {  	[sflag:s16] =	ssyncadd.s32 $0xFFFFFC00  }
0x1ba: {  	[spmem:s2] =	stream.indirect.scatter.add.f32 [tilespmem:s14], [sflag:$0x3], $0x8, s0, s13, $0xb8;
	[tilespmem:$0xDB80] =	vst v63  }
0x1bb: {  	_ =	swait.ge [sflag:s18], $0x400  }
0x1bc: {  	[sflag:s18] =	ssyncset.done $0x0  }
0x1bd: {  	[sflag:s18] =	ssyncadd.s32 $0xFFFFFC00  }
0x1be: {  	[spmem:s2] =	stream.indirect.scatter.add.f32 [tilespmem:s15], [sflag:$0x4], $0x8, s5, s13, $0xb8;
	[tilespmem:$0xDB80] =	vst v63  }
0x1bf: {  	_ =	swait.ge [sflag:s17], $0x400  }
0x1c0: {  	[sflag:s17] =	ssyncset.done $0x0  }
0x1c1: {  	[sflag:s17] =	ssyncadd.s32 $0xFFFFFC00  }
0x1c2: {  	_ =	swait.ge [sflag:s19], $0x400  }
0x1c3: {  	[sflag:s19] =	ssyncset.done $0x0  }
0x1c4: {  	[sflag:s19] =	ssyncadd.s32 $0xFFFFFC00  }
0x1c5: {  	[bflag:$0x0] =	sbarrier.arrive $0xFFFF  }
0x1c6: {  	s7 =	rddreg [dreg:$0x16]  }
0x1c7: {  	s9 =	rddreg [dreg:$0x17]  }
0x1c8: {  	s8 =	rddreg [dreg:$0x19]  }
0x1c9: {  	[hbm:s9], [sflag:s7] =	dma.local [spmem:s8], $0x1870  }
0x1ca: {  	_ =	swait.ge [sflag:s10], $0x1870  }
0x1cb: {  	s6 =	rddreg [dreg:$0x1a]  }
0x1cc: {  	s9 =	sadd.s32 $0x1, s6;
	s6 =	rddreg [dreg:$0x18]  }
0x1cd: {  	p0 =	sne.s32 s9, s6  }
.Ltmp1:
0x1ce: {  	_ = 	snop;
	(pc) =	sbr.rel @p0 .LBB2_1-.Ltmp1, $3  }
0x1cf: {  	_ =	sdelay $0x1  }
0x1d0: {  	[sflag:s10] =	ssyncset.done $0x0  }
0x1d1: {  	[sflag:s10] =	ssyncadd.s32 $0xFFFFE790  }
0x1d2: {  	_ =	sfence.sel $0x180000  }
0x1d3: {  	[bflag:$0x0] =	sbarrier.arrive $0xFFFF  }
0x1d4: {  	_ =	strace $0x90000047  }
0x1d5: {  	s0 =	stileid.u32;
	[bflag:$0x2] =	sbarrier.arrive $0xFFFF  }
0x1d6: {  	p0 =	sne.s32 s0, $0x0;
	s0 =	rddreg [dreg:$0x2]  }
0x1d7: {  	s0 =	sadd.s32 @!p0 $0x100000, s0  }
0x1d8: {  	[sflag:s0] =	ssyncadd.tile.s32 @!p0 $0x1;
	_ =	shalt  }
.Lfunc_end2:
_tile_overlayer_lowered:
.L_overlay_start_2:
0x1d9: {  	(tag) =	ssettag $0x2  }
0x1da: {  	s0 =	rddreg [dreg:$0x0];
	s2 =	stileid.u32  }
0x1db: {  	s1 =	rddreg [dreg:$0x1];
	p0 =	sne.s32 s2, $0x0  }
0x1dc: {  	s3 =	rddreg [dreg:$0x2];
	[bflag:$0x3] =	sbarrier.arrive $0xFFFF;
	s2 =	simm.s32 @!p0 $0x1C05  }
0x1dd: {  	[timem:s3], [sflag:s2] =	dma.local @!p0 [hbm:s0], s1  }
0x1de: {  	s0 =	simm.s32 @!p0 $0x5  }
0x1df: {  	_ =	swait.ge @!p0 [sflag:s0], s1  }
0x1e0: {  	s1 =	ssub.s32 @!p0 $0x0, s1;
	[sflag:s0] =	ssyncset.done @!p0 $0x0  }
0x1e1: {  	[sflag:s0] =	ssyncadd.s32 @!p0 s1  }
0x1e2: {  	[bflag:$0x3] =	sbarrier.arrive $0xFFFF  }
0x1e3: {  	_ =	shalt  }

</sc_bundles>
